<compile_context>
chip_gen: v7x
topology: tpu7x:2x2x1
jax: 0.10.2.dev20260603
libtpu: 0.0.44.dev20260713+nightly
codegen_flags: <defaults>
</compile_context>

<pallas_src>
import functools

import jax
import jax.numpy as jnp
from jax import lax
from jax.experimental import pallas as pl
from jax.experimental.pallas import tpu as pltpu
from jax.experimental.pallas import tpu_sc as plsc

_NUM_EMBEDDINGS = 8192
_DIM = 256
_ROWS = 4096

_RB = 4096
_CB = 4096
_NR = _ROWS // _RB
_NC = _NUM_EMBEDDINGS // _CB
_MM = 512


def _vq_body(x_full, e_full, xn_full, out_et, out_idx, e2s, ens, rm_s, ri_s):
    c = pl.program_id(0)
    r = pl.program_id(1)

    @pl.when((c == 0) & (r == 0))
    def _derive():
        e = e_full[...]
        e2s[...] = -2.0 * e
        ens[...] = jnp.sum(e * e, axis=0, keepdims=True)

    @pl.when(r == 0)
    def _transpose():
        out_et[...] = e_full[:, pl.ds(c * _CB, _CB)].T

    rsl = pl.ds(r * _RB, _RB)

    @pl.when(c == 0)
    def _init():
        rm_s[rsl, :] = jnp.full((_RB, 128), jnp.inf, dtype=jnp.float32)
        ri_s[rsl, :] = jnp.zeros((_RB, 128), dtype=jnp.int32)

    xb = x_full[rsl, :]
    xn_v = xn_full[rsl, :]
    rm = rm_s[rsl, :]
    ri = ri_s[rsl, :]
    for km in range(_CB // _MM):
        s2 = jnp.dot(
            xb,
            e2s[:, pl.ds(c * _CB + km * _MM, _MM)],
            preferred_element_type=jnp.float32,
        )
        for kk in range(_MM // 128):
            k = km * (_MM // 128) + kk
            en_sl = ens[:, pl.ds(c * _CB + k * 128, 128)]
            dk = (xn_v + en_sl) + s2[:, kk * 128 : (kk + 1) * 128]
            upd = dk < rm
            rm = jnp.where(upd, dk, rm)
            ri = jnp.where(
                upd, jnp.full((_RB, 128), c * (_CB // 128) + k, jnp.int32), ri
            )
    rm_s[rsl, :] = rm
    ri_s[rsl, :] = ri

    @pl.when(c == pl.num_programs(0) - 1)
    def _extract():
        lane = lax.broadcasted_iota(jnp.int32, (_RB, 128), 1)
        idx = ri * 128 + lane
        m = jnp.min(rm, axis=1, keepdims=True)
        cand = jnp.where(rm == m, idx, jnp.int32(2**30))
        out_idx[...] = jnp.min(cand, axis=1, keepdims=True)


def _tc_vq(flattened, embeddings, x_norm):
    out_et, out_idx = pl.pallas_call(
        _vq_body,
        grid=(_NC, _NR),
        in_specs=[
            pl.BlockSpec((_ROWS, _DIM), lambda c, r: (0, 0)),
            pl.BlockSpec((_DIM, _NUM_EMBEDDINGS), lambda c, r: (0, 0)),
            pl.BlockSpec((_ROWS, 1), lambda c, r: (0, 0)),
        ],
        out_specs=[
            pl.BlockSpec((_CB, _DIM), lambda c, r: (c, 0)),
            pl.BlockSpec((_RB, 1), lambda c, r: (r, 0)),
        ],
        out_shape=[
            jax.ShapeDtypeStruct((_NUM_EMBEDDINGS, _DIM), jnp.float32),
            jax.ShapeDtypeStruct((_ROWS, 1), jnp.int32),
        ],
        scratch_shapes=[
            pltpu.VMEM((_DIM, _NUM_EMBEDDINGS), jnp.float32),
            pltpu.VMEM((1, _NUM_EMBEDDINGS), jnp.float32),
            pltpu.VMEM((_ROWS, 128), jnp.float32),
            pltpu.VMEM((_ROWS, 128), jnp.int32),
        ],
    )(flattened, embeddings, x_norm)
    return out_et, out_idx.reshape(_ROWS)


def _sc_gather(table, idx):
    info = plsc.get_sparse_core_info()
    ncores, nsub = info.num_cores, info.num_subcores
    nw = ncores * nsub
    b_per_w = _ROWS // nw
    mesh = plsc.VectorSubcoreMesh(core_axis_name="c", subcore_axis_name="s")

    @functools.partial(
        pl.kernel,
        mesh=mesh,
        out_type=jax.ShapeDtypeStruct((_ROWS, _DIM), jnp.float32),
        scratch_types=[
            pltpu.VMEM((b_per_w,), jnp.int32),
            pltpu.VMEM((b_per_w, _DIM), jnp.float32),
            pltpu.SemaphoreType.DMA,
        ],
    )
    def gk(table_hbm, idx_hbm, out_hbm, idx_v, rows_v, sem):
        wid = lax.axis_index("s") * ncores + lax.axis_index("c")
        base = wid * b_per_w
        pltpu.sync_copy(idx_hbm.at[pl.ds(base, b_per_w)], idx_v)
        pltpu.async_copy(table_hbm.at[idx_v], rows_v, sem).wait()
        pltpu.sync_copy(rows_v, out_hbm.at[pl.ds(base, b_per_w)])

    return gk(table, idx)


def kernel(x, embeddings):
    input_shape = x.shape
    flattened = jnp.reshape(x, (-1, _DIM))
    x_norm = jnp.sum(flattened**2, axis=1, keepdims=True)

    emb_t, idx = _tc_vq(flattened, embeddings, x_norm)

    quantized = _sc_gather(emb_t, idx)
    return (jnp.reshape(quantized, input_shape), idx)

# --- scband reference (transcript-rebuilt; emitter-appended) ---
"""Pipeline reference for scband-vector-quantizer-73048803770683 (READ-ONLY COPY).

The authoritative reference and input builder live on the scoring server;
editing this copy changes nothing except your own understanding.
"""

import jax, jax.numpy as jnp
import numpy as np

NUM_EMBEDDINGS = 8192
EMBEDDING_DIM = 256
BETA = 0.25
USAGE_THRESHOLD = 1.0


def setup_inputs(seed: int = 0) -> dict:
    key = jax.random.key(seed)
    k1, k2 = jax.random.split(key)
    x = jax.random.normal(k1, (4, 1024, EMBEDDING_DIM), dtype=jnp.float32)
    # matches tf.random_uniform_initializer() default range [-0.05, 0.05)
    embeddings = jax.random.uniform(k2, (EMBEDDING_DIM, NUM_EMBEDDINGS), dtype=jnp.float32, minval=-0.05, maxval=0.05)
    return {"x": x, "embeddings": embeddings}


def get_code_indices(flattened, embeddings):
    similarity = flattened @ embeddings
    distances = (
        jnp.sum(flattened ** 2, axis=1, keepdims=True)
        + jnp.sum(embeddings ** 2, axis=0)
        - 2.0 * similarity
    )
    return jnp.argmin(distances, axis=1)


def reference(x, embeddings):
    input_shape = x.shape
    flattened = jnp.reshape(x, (-1, EMBEDDING_DIM))
    encoding_indices = get_code_indices(flattened, embeddings)
    encodings = jax.nn.one_hot(encoding_indices, NUM_EMBEDDINGS, dtype=jnp.float32)
    quantized = encodings @ embeddings.T
    quantized = jnp.reshape(quantized, input_shape)

    commitment_loss = BETA * jnp.mean((jax.lax.stop_gradient(quantized) - x) ** 2)
    codebook_loss = jnp.mean((quantized - jax.lax.stop_gradient(x)) ** 2)
    loss = commitment_loss + codebook_loss  # add_loss equivalent (tracked, not returned in call)

    # straight-through estimator
    quantized_st = x + jax.lax.stop_gradient(quantized - x)

    N_t = jnp.sum(encodings, axis=0)
    codebook_usage = jnp.sum((N_t >= USAGE_THRESHOLD).astype(jnp.float32))  # metric tracking
    del loss, codebook_usage

    return (quantized_st, encoding_indices)

if __name__ == "__main__":
    import jax
    _d = setup_inputs()
    print(jax.jit(kernel)(*tuple(_d.values())))

</pallas_src>

<mosaic_0001>
#map = affine_map<(d0, d1) -> (0, 0)>
#map1 = affine_map<(d0, d1) -> (0)>
module attributes {stable_mosaic.version = 14 : i64} {
  func.func @gk(%arg0: i32, %arg1: i32, %arg2: memref<8192x256xf32, #tpu.memory_space<hbm>>, %arg3: memref<4096xi32, #tpu.memory_space<hbm>>, %arg4: memref<4096x256xf32, #tpu.memory_space<hbm>>, %arg5: memref<128xi32, #tpu.memory_space<vmem>>, %arg6: memref<128x256xf32, #tpu.memory_space<vmem>>, %arg7: memref<!tpu.dma_semaphore, #tpu.memory_space<semaphore_mem>>) attributes {dimension_semantics = [#tpu.dimension_semantics<core_parallel>, #tpu.dimension_semantics<subcore_parallel>], iteration_bounds = array<i64: 2, 16>, scalar_prefetch = 0 : i64, scratch_operands = 3 : i64, tpu.core_type = #tpu.core_type<sc_vector_subcore>, window_params = [{transform_indices = #map}, {transform_indices = #map1}, {transform_indices = #map}]} {
    %mul3A = arith.constant 2 : i32
    %mul3A_0 = arith.muli %arg1, %mul3A : i32
    %add3A = arith.addi %mul3A_0, %arg0 : i32
    %mul3A_1 = arith.constant 128 : i32
    %mul3A_2 = arith.muli %add3A, %mul3A_1 : i32
    "tpu.region"() ({
      %run_scoped3A = tpu.sem_alloc : memref<!tpu.dma_semaphore, #tpu.memory_space<semaphore_mem>>
      %dma_start3A_7 = tpu.memref_slice %arg3[%mul3A_2] : memref<4096xi32, #tpu.memory_space<hbm>> -> memref<128xi32, #tpu.memory_space<hbm>>
      %dma_start3A_8 = tpu.memref_slice %arg3[%mul3A_2] : memref<4096xi32, #tpu.memory_space<hbm>> -> memref<128xi32, #tpu.memory_space<hbm>>
      tpu.enqueue_dma source(%dma_start3A_8 : memref<128xi32, #tpu.memory_space<hbm>>) target(%arg5 : memref<128xi32, #tpu.memory_space<vmem>>) target_semaphore(%run_scoped3A : memref<!tpu.dma_semaphore, #tpu.memory_space<semaphore_mem>>)
      %dma_wait3A_9 = tpu.memref_slice %arg3[%mul3A_2] : memref<4096xi32, #tpu.memory_space<hbm>> -> memref<128xi32, #tpu.memory_space<hbm>>
      %dma_wait3A_10 = tpu.memref_slice %arg3[%mul3A_2] : memref<4096xi32, #tpu.memory_space<hbm>> -> memref<128xi32, #tpu.memory_space<hbm>>
      tpu.wait_dma2 semaphore(%run_scoped3A : memref<!tpu.dma_semaphore, #tpu.memory_space<semaphore_mem>>) src(%dma_wait3A_10 : memref<128xi32, #tpu.memory_space<hbm>>) dst(%arg5 : memref<128xi32, #tpu.memory_space<vmem>>)
      tpu.yield
    }) : () -> ()
    %dma_start3A = arith.constant 0 : i32
    %dma_start3A_3 = arith.constant 0 : i32
    %dma_start3A_4 = tpu.memref_slice %arg2[%dma_start3A, %dma_start3A_3] : memref<8192x256xf32, #tpu.memory_space<hbm>> -> memref<8192x256xf32, #tpu.memory_space<hbm>>
    tpu.enqueue_indirect_dma source(%dma_start3A_4 : memref<8192x256xf32, #tpu.memory_space<hbm>>) target(%arg6 : memref<128x256xf32, #tpu.memory_space<vmem>>) offsets(%arg5 : memref<128xi32, #tpu.memory_space<vmem>>) semaphore(%arg7 : memref<!tpu.dma_semaphore, #tpu.memory_space<semaphore_mem>>)
    %dma_wait3A = arith.constant 0 : i32
    %dma_wait3A_5 = arith.constant 0 : i32
    %dma_wait3A_6 = tpu.memref_slice %arg2[%dma_wait3A, %dma_wait3A_5] : memref<8192x256xf32, #tpu.memory_space<hbm>> -> memref<8192x256xf32, #tpu.memory_space<hbm>>
    tpu.wait_indirect_dma semaphore(%arg7 : memref<!tpu.dma_semaphore, #tpu.memory_space<semaphore_mem>>) src(%dma_wait3A_6 : memref<8192x256xf32, #tpu.memory_space<hbm>>) dst(%arg6 : memref<128x256xf32, #tpu.memory_space<vmem>>)
    "tpu.region"() ({
      %run_scoped3A = tpu.sem_alloc : memref<!tpu.dma_semaphore, #tpu.memory_space<semaphore_mem>>
      %dma_start3A_7 = arith.constant 0 : i32
      %dma_start3A_8 = tpu.memref_slice %arg4[%mul3A_2, %dma_start3A_7] : memref<4096x256xf32, #tpu.memory_space<hbm>> -> memref<128x256xf32, #tpu.memory_space<hbm>>
      %dma_start3A_9 = arith.constant 0 : i32
      %dma_start3A_10 = tpu.memref_slice %arg4[%mul3A_2, %dma_start3A_9] : memref<4096x256xf32, #tpu.memory_space<hbm>> -> memref<128x256xf32, #tpu.memory_space<hbm>>
      tpu.enqueue_dma source(%arg6 : memref<128x256xf32, #tpu.memory_space<vmem>>) target(%dma_start3A_10 : memref<128x256xf32, #tpu.memory_space<hbm>>) target_semaphore(%run_scoped3A : memref<!tpu.dma_semaphore, #tpu.memory_space<semaphore_mem>>)
      %dma_wait3A_11 = arith.constant 0 : i32
      %dma_wait3A_12 = tpu.memref_slice %arg4[%mul3A_2, %dma_wait3A_11] : memref<4096x256xf32, #tpu.memory_space<hbm>> -> memref<128x256xf32, #tpu.memory_space<hbm>>
      %dma_wait3A_13 = arith.constant 0 : i32
      %dma_wait3A_14 = tpu.memref_slice %arg4[%mul3A_2, %dma_wait3A_13] : memref<4096x256xf32, #tpu.memory_space<hbm>> -> memref<128x256xf32, #tpu.memory_space<hbm>>
      tpu.wait_dma2 semaphore(%run_scoped3A : memref<!tpu.dma_semaphore, #tpu.memory_space<semaphore_mem>>) src(%arg6 : memref<128x256xf32, #tpu.memory_space<vmem>>) dst(%dma_wait3A_14 : memref<128x256xf32, #tpu.memory_space<hbm>>)
      tpu.yield
    }) : () -> ()
    return
  }
}

module attributes {stable_mosaic.version = 14 : i64} {
  func.func @_vq_body(%arg0: i32, %arg1: i32, %arg2: memref<4096x256xf32, #tpu.memory_space<vmem>>, %arg3: memref<256x8192xf32, #tpu.memory_space<vmem>>, %arg4: memref<4096x1xf32, #tpu.memory_space<vmem>>, %arg5: memref<4096x256xf32, #tpu.memory_space<vmem>>, %arg6: memref<4096x1xi32, #tpu.memory_space<vmem>>, %arg7: memref<256x8192xf32, #tpu.memory_space<vmem>>, %arg8: memref<1x8192xf32, #tpu.memory_space<vmem>>, %arg9: memref<4096x128xf32, #tpu.memory_space<vmem>>, %arg10: memref<4096x128xi32, #tpu.memory_space<vmem>>) attributes {dimension_semantics = [#tpu.dimension_semantics<arbitrary>, #tpu.dimension_semantics<arbitrary>], iteration_bounds = array<i64: 2, 1>, scalar_prefetch = 0 : i64, scratch_operands = 4 : i64, tpu.core_type = #tpu.core_type<tc>, window_params = [{pipeline_mode = #tpu.pipeline_mode<synchronous>, transform_indices = @transform_0, window_bounds = array<i64: 4096, 256>}, {pipeline_mode = #tpu.pipeline_mode<synchronous>, transform_indices = @transform_1, window_bounds = array<i64: 256, 8192>}, {pipeline_mode = #tpu.pipeline_mode<synchronous>, transform_indices = @transform_2, window_bounds = array<i64: 4096, 1>}, {transform_indices = @transform_3, window_bounds = array<i64: 4096, 256>}, {transform_indices = @transform_4, window_bounds = array<i64: 4096, 1>}]} {
    %eq3A = arith.constant 0 : i32
    %eq3A_0 = arith.cmpi eq, %arg0, %eq3A : i32
    %eq3A_1 = arith.constant 0 : i32
    %eq3A_2 = arith.cmpi eq, %arg1, %eq3A_1 : i32
    %and3A = arith.andi %eq3A_0, %eq3A_2 : i1
    %convert_element_type3A = arith.extui %and3A : i1 to i32
    %cond3A = arith.constant 0 : i32
    %cond3A_3 = arith.cmpi ne, %convert_element_type3A, %cond3A : i32
    scf.if %cond3A_3 {
      %get3A_742 = arith.constant 0 : index
      %get3A_743 = arith.constant 0 : index
      %get3A_744 = vector.load %arg3[%get3A_742, %get3A_743] : memref<256x8192xf32, #tpu.memory_space<vmem>>, vector<256x8192xf32>
      %mul3A_745 = arith.constant -2.000000e+00 : f32
      %mul3A_746 = vector.broadcast %mul3A_745 : f32 to vector<256x8192xf32>
      %mul3A_747 = arith.mulf %mul3A_746, %get3A_744 : vector<256x8192xf32>
      %swap3A_748 = arith.constant 0 : index
      %swap3A_749 = arith.constant 0 : index
      %swap3A_750 = vector.load %arg7[%swap3A_748, %swap3A_749] : memref<256x8192xf32, #tpu.memory_space<vmem>>, vector<256x8192xf32>
      tpu.vector_store %arg7[%swap3A_748, %swap3A_749], %mul3A_747 {strides = array<i32>} : memref<256x8192xf32, #tpu.memory_space<vmem>>, vector<256x8192xf32>,
      %mul3A_751 = arith.mulf %get3A_744, %get3A_744 : vector<256x8192xf32>
      %reduce_sum3A = arith.constant dense<0.000000e+00> : vector<8192xf32>
      %reduce_sum3A_752 = vector.multi_reduction <add>, %mul3A_751, %reduce_sum3A [0] : vector<256x8192xf32> to vector<8192xf32>
      %broadcast_in_dim3A_753 = vector.shape_cast %reduce_sum3A_752 : vector<8192xf32> to vector<1x8192xf32>
      %swap3A_754 = arith.constant 0 : index
      %swap3A_755 = arith.constant 0 : index
      %swap3A_756 = vector.load %arg8[%swap3A_754, %swap3A_755] : memref<1x8192xf32, #tpu.memory_space<vmem>>, vector<1x8192xf32>
      tpu.vector_store %arg8[%swap3A_754, %swap3A_755], %broadcast_in_dim3A_753 {strides = array<i32>} : memref<1x8192xf32, #tpu.memory_space<vmem>>, vector<1x8192xf32>,
    } else {
    }
    %eq3A_4 = arith.constant 0 : i32
    %eq3A_5 = arith.cmpi eq, %arg1, %eq3A_4 : i32
    %convert_element_type3A_6 = arith.extui %eq3A_5 : i1 to i32
    %cond3A_7 = arith.constant 0 : i32
    %cond3A_8 = arith.cmpi ne, %convert_element_type3A_6, %cond3A_7 : i32
    scf.if %cond3A_8 {
      %mul3A_742 = arith.constant 4096 : i32
      %mul3A_743 = arith.muli %arg0, %mul3A_742 : i32
      %get3A_744 = arith.constant 0 : index
      %get3A_745 = arith.index_cast %mul3A_743 : i32 to index
      %get3A_746 = vector.load %arg3[%get3A_744, %get3A_745] : memref<256x8192xf32, #tpu.memory_space<vmem>>, vector<256x4096xf32>
      %transpose3A = tpu.transpose %get3A_746, [1, 0] : vector<256x4096xf32> -> vector<4096x256xf32>
      %swap3A_747 = arith.constant 0 : index
      %swap3A_748 = arith.constant 0 : index
      %swap3A_749 = vector.load %arg5[%swap3A_747, %swap3A_748] : memref<4096x256xf32, #tpu.memory_space<vmem>>, vector<4096x256xf32>
      tpu.vector_store %arg5[%swap3A_747, %swap3A_748], %transpose3A {strides = array<i32>} : memref<4096x256xf32, #tpu.memory_space<vmem>>, vector<4096x256xf32>,
    } else {
    }
    %mul3A = arith.constant 4096 : i32
    %mul3A_9 = arith.muli %arg1, %mul3A : i32
    %eq3A_10 = arith.constant 0 : i32
    %eq3A_11 = arith.cmpi eq, %arg0, %eq3A_10 : i32
    %convert_element_type3A_12 = arith.extui %eq3A_11 : i1 to i32
    %cond3A_13 = arith.constant 0 : i32
    %cond3A_14 = arith.cmpi ne, %convert_element_type3A_12, %cond3A_13 : i32
    scf.if %cond3A_14 {
      %broadcast_in_dim3A_742 = arith.constant 0x7F800000 : f32
      %broadcast_in_dim3A_743 = vector.broadcast %broadcast_in_dim3A_742 : f32 to vector<4096x128xf32>
      %swap3A_744 = arith.index_cast %mul3A_9 : i32 to index
      %swap3A_745 = arith.constant 0 : index
      %swap3A_746 = vector.load %arg9[%swap3A_744, %swap3A_745] : memref<4096x128xf32, #tpu.memory_space<vmem>>, vector<4096x128xf32>
      tpu.vector_store %arg9[%swap3A_744, %swap3A_745], %broadcast_in_dim3A_743 {strides = array<i32>} : memref<4096x128xf32, #tpu.memory_space<vmem>>, vector<4096x128xf32>,
      %broadcast_in_dim3A_747 = arith.constant 0 : i32
      %broadcast_in_dim3A_748 = vector.broadcast %broadcast_in_dim3A_747 : i32 to vector<4096x128xi32>
      %swap3A_749 = arith.index_cast %mul3A_9 : i32 to index
      %swap3A_750 = arith.constant 0 : index
      %swap3A_751 = vector.load %arg10[%swap3A_749, %swap3A_750] : memref<4096x128xi32, #tpu.memory_space<vmem>>, vector<4096x128xi32>
      tpu.vector_store %arg10[%swap3A_749, %swap3A_750], %broadcast_in_dim3A_748 {strides = array<i32>} : memref<4096x128xi32, #tpu.memory_space<vmem>>, vector<4096x128xi32>,
    } else {
    }
    %get3A = arith.index_cast %mul3A_9 : i32 to index
    %get3A_15 = arith.constant 0 : index
    %get3A_16 = vector.load %arg2[%get3A, %get3A_15] : memref<4096x256xf32, #tpu.memory_space<vmem>>, vector<4096x256xf32>
    %get3A_17 = arith.index_cast %mul3A_9 : i32 to index
    %get3A_18 = arith.constant 0 : index
    %get3A_19 = vector.load %arg4[%get3A_17, %get3A_18] : memref<4096x1xf32, #tpu.memory_space<vmem>>, vector<4096x1xf32>
    %get3A_20 = arith.index_cast %mul3A_9 : i32 to index
    %get3A_21 = arith.constant 0 : index
    %get3A_22 = vector.load %arg9[%get3A_20, %get3A_21] : memref<4096x128xf32, #tpu.memory_space<vmem>>, vector<4096x128xf32>
    %get3A_23 = arith.index_cast %mul3A_9 : i32 to index
    %get3A_24 = arith.constant 0 : index
    %get3A_25 = vector.load %arg10[%get3A_23, %get3A_24] : memref<4096x128xi32, #tpu.memory_space<vmem>>, vector<4096x128xi32>
    %mul3A_26 = arith.constant 4096 : i32
    %mul3A_27 = arith.muli %arg0, %mul3A_26 : i32
    %add3A = arith.constant 0 : i32
    %add3A_28 = arith.addi %mul3A_27, %add3A : i32
    %get3A_29 = arith.constant 0 : index
    %get3A_30 = arith.index_cast %add3A_28 : i32 to index
    %get3A_31 = vector.load %arg7[%get3A_29, %get3A_30] : memref<256x8192xf32, #tpu.memory_space<vmem>>, vector<256x512xf32>
    %dot_general3A = arith.constant dense<0.000000e+00> : vector<4096x512xf32>
    %dot_general3A_32 = tpu.matmul %get3A_16, %get3A_31, %dot_general3A {dimension_numbers = #tpu.dot_dimension_numbers<[1], [0], [0], [1], [0, 0, 1, 1], [], []>, transpose_lhs_hint = false} : vector<4096x256xf32>, vector<256x512xf32>, vector<4096x512xf32> -> vector<4096x512xf32>
    %mul3A_33 = arith.constant 4096 : i32
    %mul3A_34 = arith.muli %arg0, %mul3A_33 : i32
    %add3A_35 = arith.constant 0 : i32
    %add3A_36 = arith.addi %mul3A_34, %add3A_35 : i32
    %get3A_37 = arith.constant 0 : index
    %get3A_38 = arith.index_cast %add3A_36 : i32 to index
    %get3A_39 = vector.load %arg8[%get3A_37, %get3A_38] : memref<1x8192xf32, #tpu.memory_space<vmem>>, vector<1x128xf32>
    %add3A_40 = vector.broadcast %get3A_19 : vector<4096x1xf32> to vector<4096x128xf32>
    %add3A_41 = vector.broadcast %get3A_39 : vector<1x128xf32> to vector<4096x128xf32>
    %add3A_42 = arith.addf %add3A_40, %add3A_41 : vector<4096x128xf32>
    %slice3A = vector.extract_strided_slice %dot_general3A_32 {offsets = [0, 0], sizes = [4096, 128], strides = [1, 1]} : vector<4096x512xf32> to vector<4096x128xf32>
    %add3A_43 = arith.addf %add3A_42, %slice3A : vector<4096x128xf32>
    %lt3A = arith.cmpf olt, %add3A_43, %get3A_22 : vector<4096x128xf32>
    %select_n3A = arith.select %lt3A, %add3A_43, %get3A_22 : vector<4096x128xi1>, vector<4096x128xf32>
    %mul3A_44 = arith.constant 32 : i32
    %mul3A_45 = arith.muli %arg0, %mul3A_44 : i32
    %add3A_46 = arith.constant 0 : i32
    %add3A_47 = arith.addi %mul3A_45, %add3A_46 : i32
    %broadcast_in_dim3A = vector.broadcast %add3A_47 : i32 to vector<4096x128xi32>
    %select_n3A_48 = arith.select %lt3A, %broadcast_in_dim3A, %get3A_25 : vector<4096x128xi1>, vector<4096x128xi32>
    %mul3A_49 = arith.constant 4096 : i32
    %mul3A_50 = arith.muli %arg0, %mul3A_49 : i32
    %add3A_51 = arith.constant 128 : i32
    %add3A_52 = arith.addi %mul3A_50, %add3A_51 : i32
    %get3A_53 = arith.constant 0 : index
    %get3A_54 = arith.index_cast %add3A_52 : i32 to index
    %get3A_55 = vector.load %arg8[%get3A_53, %get3A_54] : memref<1x8192xf32, #tpu.memory_space<vmem>>, vector<1x128xf32>
    %add3A_56 = vector.broadcast %get3A_19 : vector<4096x1xf32> to vector<4096x128xf32>
    %add3A_57 = vector.broadcast %get3A_55 : vector<1x128xf32> to vector<4096x128xf32>
    %add3A_58 = arith.addf %add3A_56, %add3A_57 : vector<4096x128xf32>
    %slice3A_59 = vector.extract_strided_slice %dot_general3A_32 {offsets = [0, 128], sizes = [4096, 128], strides = [1, 1]} : vector<4096x512xf32> to vector<4096x128xf32>
    %add3A_60 = arith.addf %add3A_58, %slice3A_59 : vector<4096x128xf32>
    %lt3A_61 = arith.cmpf olt, %add3A_60, %select_n3A : vector<4096x128xf32>
    %select_n3A_62 = arith.select %lt3A_61, %add3A_60, %select_n3A : vector<4096x128xi1>, vector<4096x128xf32>
    %mul3A_63 = arith.constant 32 : i32
    %mul3A_64 = arith.muli %arg0, %mul3A_63 : i32
    %add3A_65 = arith.constant 1 : i32
    %add3A_66 = arith.addi %mul3A_64, %add3A_65 : i32
    %broadcast_in_dim3A_67 = vector.broadcast %add3A_66 : i32 to vector<4096x128xi32>
    %select_n3A_68 = arith.select %lt3A_61, %broadcast_in_dim3A_67, %select_n3A_48 : vector<4096x128xi1>, vector<4096x128xi32>
    %mul3A_69 = arith.constant 4096 : i32
    %mul3A_70 = arith.muli %arg0, %mul3A_69 : i32
    %add3A_71 = arith.constant 256 : i32
    %add3A_72 = arith.addi %mul3A_70, %add3A_71 : i32
    %get3A_73 = arith.constant 0 : index
    %get3A_74 = arith.index_cast %add3A_72 : i32 to index
    %get3A_75 = vector.load %arg8[%get3A_73, %get3A_74] : memref<1x8192xf32, #tpu.memory_space<vmem>>, vector<1x128xf32>
    %add3A_76 = vector.broadcast %get3A_19 : vector<4096x1xf32> to vector<4096x128xf32>
    %add3A_77 = vector.broadcast %get3A_75 : vector<1x128xf32> to vector<4096x128xf32>
    %add3A_78 = arith.addf %add3A_76, %add3A_77 : vector<4096x128xf32>
    %slice3A_79 = vector.extract_strided_slice %dot_general3A_32 {offsets = [0, 256], sizes = [4096, 128], strides = [1, 1]} : vector<4096x512xf32> to vector<4096x128xf32>
    %add3A_80 = arith.addf %add3A_78, %slice3A_79 : vector<4096x128xf32>
    %lt3A_81 = arith.cmpf olt, %add3A_80, %select_n3A_62 : vector<4096x128xf32>
    %select_n3A_82 = arith.select %lt3A_81, %add3A_80, %select_n3A_62 : vector<4096x128xi1>, vector<4096x128xf32>
    %mul3A_83 = arith.constant 32 : i32
    %mul3A_84 = arith.muli %arg0, %mul3A_83 : i32
    %add3A_85 = arith.constant 2 : i32
    %add3A_86 = arith.addi %mul3A_84, %add3A_85 : i32
    %broadcast_in_dim3A_87 = vector.broadcast %add3A_86 : i32 to vector<4096x128xi32>
    %select_n3A_88 = arith.select %lt3A_81, %broadcast_in_dim3A_87, %select_n3A_68 : vector<4096x128xi1>, vector<4096x128xi32>
    %mul3A_89 = arith.constant 4096 : i32
    %mul3A_90 = arith.muli %arg0, %mul3A_89 : i32
    %add3A_91 = arith.constant 384 : i32
    %add3A_92 = arith.addi %mul3A_90, %add3A_91 : i32
    %get3A_93 = arith.constant 0 : index
    %get3A_94 = arith.index_cast %add3A_92 : i32 to index
    %get3A_95 = vector.load %arg8[%get3A_93, %get3A_94] : memref<1x8192xf32, #tpu.memory_space<vmem>>, vector<1x128xf32>
    %add3A_96 = vector.broadcast %get3A_19 : vector<4096x1xf32> to vector<4096x128xf32>
    %add3A_97 = vector.broadcast %get3A_95 : vector<1x128xf32> to vector<4096x128xf32>
    %add3A_98 = arith.addf %add3A_96, %add3A_97 : vector<4096x128xf32>
    %slice3A_99 = vector.extract_strided_slice %dot_general3A_32 {offsets = [0, 384], sizes = [4096, 128], strides = [1, 1]} : vector<4096x512xf32> to vector<4096x128xf32>
    %add3A_100 = arith.addf %add3A_98, %slice3A_99 : vector<4096x128xf32>
    %lt3A_101 = arith.cmpf olt, %add3A_100, %select_n3A_82 : vector<4096x128xf32>
    %select_n3A_102 = arith.select %lt3A_101, %add3A_100, %select_n3A_82 : vector<4096x128xi1>, vector<4096x128xf32>
    %mul3A_103 = arith.constant 32 : i32
    %mul3A_104 = arith.muli %arg0, %mul3A_103 : i32
    %add3A_105 = arith.constant 3 : i32
    %add3A_106 = arith.addi %mul3A_104, %add3A_105 : i32
    %broadcast_in_dim3A_107 = vector.broadcast %add3A_106 : i32 to vector<4096x128xi32>
    %select_n3A_108 = arith.select %lt3A_101, %broadcast_in_dim3A_107, %select_n3A_88 : vector<4096x128xi1>, vector<4096x128xi32>
    %mul3A_109 = arith.constant 4096 : i32
    %mul3A_110 = arith.muli %arg0, %mul3A_109 : i32
    %add3A_111 = arith.constant 512 : i32
    %add3A_112 = arith.addi %mul3A_110, %add3A_111 : i32
    %get3A_113 = arith.constant 0 : index
    %get3A_114 = arith.index_cast %add3A_112 : i32 to index
    %get3A_115 = vector.load %arg7[%get3A_113, %get3A_114] : memref<256x8192xf32, #tpu.memory_space<vmem>>, vector<256x512xf32>
    %dot_general3A_116 = arith.constant dense<0.000000e+00> : vector<4096x512xf32>
    %dot_general3A_117 = tpu.matmul %get3A_16, %get3A_115, %dot_general3A_116 {dimension_numbers = #tpu.dot_dimension_numbers<[1], [0], [0], [1], [0, 0, 1, 1], [], []>, transpose_lhs_hint = false} : vector<4096x256xf32>, vector<256x512xf32>, vector<4096x512xf32> -> vector<4096x512xf32>
    %mul3A_118 = arith.constant 4096 : i32
    %mul3A_119 = arith.muli %arg0, %mul3A_118 : i32
    %add3A_120 = arith.constant 512 : i32
    %add3A_121 = arith.addi %mul3A_119, %add3A_120 : i32
    %get3A_122 = arith.constant 0 : index
    %get3A_123 = arith.index_cast %add3A_121 : i32 to index
    %get3A_124 = vector.load %arg8[%get3A_122, %get3A_123] : memref<1x8192xf32, #tpu.memory_space<vmem>>, vector<1x128xf32>
    %add3A_125 = vector.broadcast %get3A_19 : vector<4096x1xf32> to vector<4096x128xf32>
    %add3A_126 = vector.broadcast %get3A_124 : vector<1x128xf32> to vector<4096x128xf32>
    %add3A_127 = arith.addf %add3A_125, %add3A_126 : vector<4096x128xf32>
    %slice3A_128 = vector.extract_strided_slice %dot_general3A_117 {offsets = [0, 0], sizes = [4096, 128], strides = [1, 1]} : vector<4096x512xf32> to vector<4096x128xf32>
    %add3A_129 = arith.addf %add3A_127, %slice3A_128 : vector<4096x128xf32>
    %lt3A_130 = arith.cmpf olt, %add3A_129, %select_n3A_102 : vector<4096x128xf32>
    %select_n3A_131 = arith.select %lt3A_130, %add3A_129, %select_n3A_102 : vector<4096x128xi1>, vector<4096x128xf32>
    %mul3A_132 = arith.constant 32 : i32
    %mul3A_133 = arith.muli %arg0, %mul3A_132 : i32
    %add3A_134 = arith.constant 4 : i32
    %add3A_135 = arith.addi %mul3A_133, %add3A_134 : i32
    %broadcast_in_dim3A_136 = vector.broadcast %add3A_135 : i32 to vector<4096x128xi32>
    %select_n3A_137 = arith.select %lt3A_130, %broadcast_in_dim3A_136, %select_n3A_108 : vector<4096x128xi1>, vector<4096x128xi32>
    %mul3A_138 = arith.constant 4096 : i32
    %mul3A_139 = arith.muli %arg0, %mul3A_138 : i32
    %add3A_140 = arith.constant 640 : i32
    %add3A_141 = arith.addi %mul3A_139, %add3A_140 : i32
    %get3A_142 = arith.constant 0 : index
    %get3A_143 = arith.index_cast %add3A_141 : i32 to index
    %get3A_144 = vector.load %arg8[%get3A_142, %get3A_143] : memref<1x8192xf32, #tpu.memory_space<vmem>>, vector<1x128xf32>
    %add3A_145 = vector.broadcast %get3A_19 : vector<4096x1xf32> to vector<4096x128xf32>
    %add3A_146 = vector.broadcast %get3A_144 : vector<1x128xf32> to vector<4096x128xf32>
    %add3A_147 = arith.addf %add3A_145, %add3A_146 : vector<4096x128xf32>
    %slice3A_148 = vector.extract_strided_slice %dot_general3A_117 {offsets = [0, 128], sizes = [4096, 128], strides = [1, 1]} : vector<4096x512xf32> to vector<4096x128xf32>
    %add3A_149 = arith.addf %add3A_147, %slice3A_148 : vector<4096x128xf32>
    %lt3A_150 = arith.cmpf olt, %add3A_149, %select_n3A_131 : vector<4096x128xf32>
    %select_n3A_151 = arith.select %lt3A_150, %add3A_149, %select_n3A_131 : vector<4096x128xi1>, vector<4096x128xf32>
    %mul3A_152 = arith.constant 32 : i32
    %mul3A_153 = arith.muli %arg0, %mul3A_152 : i32
    %add3A_154 = arith.constant 5 : i32
    %add3A_155 = arith.addi %mul3A_153, %add3A_154 : i32
    %broadcast_in_dim3A_156 = vector.broadcast %add3A_155 : i32 to vector<4096x128xi32>
    %select_n3A_157 = arith.select %lt3A_150, %broadcast_in_dim3A_156, %select_n3A_137 : vector<4096x128xi1>, vector<4096x128xi32>
    %mul3A_158 = arith.constant 4096 : i32
    %mul3A_159 = arith.muli %arg0, %mul3A_158 : i32
    %add3A_160 = arith.constant 768 : i32
    %add3A_161 = arith.addi %mul3A_159, %add3A_160 : i32
    %get3A_162 = arith.constant 0 : index
    %get3A_163 = arith.index_cast %add3A_161 : i32 to index
    %get3A_164 = vector.load %arg8[%get3A_162, %get3A_163] : memref<1x8192xf32, #tpu.memory_space<vmem>>, vector<1x128xf32>
    %add3A_165 = vector.broadcast %get3A_19 : vector<4096x1xf32> to vector<4096x128xf32>
    %add3A_166 = vector.broadcast %get3A_164 : vector<1x128xf32> to vector<4096x128xf32>
    %add3A_167 = arith.addf %add3A_165, %add3A_166 : vector<4096x128xf32>
    %slice3A_168 = vector.extract_strided_slice %dot_general3A_117 {offsets = [0, 256], sizes = [4096, 128], strides = [1, 1]} : vector<4096x512xf32> to vector<4096x128xf32>
    %add3A_169 = arith.addf %add3A_167, %slice3A_168 : vector<4096x128xf32>
    %lt3A_170 = arith.cmpf olt, %add3A_169, %select_n3A_151 : vector<4096x128xf32>
    %select_n3A_171 = arith.select %lt3A_170, %add3A_169, %select_n3A_151 : vector<4096x128xi1>, vector<4096x128xf32>
    %mul3A_172 = arith.constant 32 : i32
    %mul3A_173 = arith.muli %arg0, %mul3A_172 : i32
    %add3A_174 = arith.constant 6 : i32
    %add3A_175 = arith.addi %mul3A_173, %add3A_174 : i32
    %broadcast_in_dim3A_176 = vector.broadcast %add3A_175 : i32 to vector<4096x128xi32>
    %select_n3A_177 = arith.select %lt3A_170, %broadcast_in_dim3A_176, %select_n3A_157 : vector<4096x128xi1>, vector<4096x128xi32>
    %mul3A_178 = arith.constant 4096 : i32
    %mul3A_179 = arith.muli %arg0, %mul3A_178 : i32
    %add3A_180 = arith.constant 896 : i32
    %add3A_181 = arith.addi %mul3A_179, %add3A_180 : i32
    %get3A_182 = arith.constant 0 : index
    %get3A_183 = arith.index_cast %add3A_181 : i32 to index
    %get3A_184 = vector.load %arg8[%get3A_182, %get3A_183] : memref<1x8192xf32, #tpu.memory_space<vmem>>, vector<1x128xf32>
    %add3A_185 = vector.broadcast %get3A_19 : vector<4096x1xf32> to vector<4096x128xf32>
    %add3A_186 = vector.broadcast %get3A_184 : vector<1x128xf32> to vector<4096x128xf32>
    %add3A_187 = arith.addf %add3A_185, %add3A_186 : vector<4096x128xf32>
    %slice3A_188 = vector.extract_strided_slice %dot_general3A_117 {offsets = [0, 384], sizes = [4096, 128], strides = [1, 1]} : vector<4096x512xf32> to vector<4096x128xf32>
    %add3A_189 = arith.addf %add3A_187, %slice3A_188 : vector<4096x128xf32>
    %lt3A_190 = arith.cmpf olt, %add3A_189, %select_n3A_171 : vector<4096x128xf32>
    %select_n3A_191 = arith.select %lt3A_190, %add3A_189, %select_n3A_171 : vector<4096x128xi1>, vector<4096x128xf32>
    %mul3A_192 = arith.constant 32 : i32
    %mul3A_193 = arith.muli %arg0, %mul3A_192 : i32
    %add3A_194 = arith.constant 7 : i32
    %add3A_195 = arith.addi %mul3A_193, %add3A_194 : i32
    %broadcast_in_dim3A_196 = vector.broadcast %add3A_195 : i32 to vector<4096x128xi32>
    %select_n3A_197 = arith.select %lt3A_190, %broadcast_in_dim3A_196, %select_n3A_177 : vector<4096x128xi1>, vector<4096x128xi32>
    %mul3A_198 = arith.constant 4096 : i32
    %mul3A_199 = arith.muli %arg0, %mul3A_198 : i32
    %add3A_200 = arith.constant 1024 : i32
    %add3A_201 = arith.addi %mul3A_199, %add3A_200 : i32
    %get3A_202 = arith.constant 0 : index
    %get3A_203 = arith.index_cast %add3A_201 : i32 to index
    %get3A_204 = vector.load %arg7[%get3A_202, %get3A_203] : memref<256x8192xf32, #tpu.memory_space<vmem>>, vector<256x512xf32>
    %dot_general3A_205 = arith.constant dense<0.000000e+00> : vector<4096x512xf32>
    %dot_general3A_206 = tpu.matmul %get3A_16, %get3A_204, %dot_general3A_205 {dimension_numbers = #tpu.dot_dimension_numbers<[1], [0], [0], [1], [0, 0, 1, 1], [], []>, transpose_lhs_hint = false} : vector<4096x256xf32>, vector<256x512xf32>, vector<4096x512xf32> -> vector<4096x512xf32>
    %mul3A_207 = arith.constant 4096 : i32
    %mul3A_208 = arith.muli %arg0, %mul3A_207 : i32
    %add3A_209 = arith.constant 1024 : i32
    %add3A_210 = arith.addi %mul3A_208, %add3A_209 : i32
    %get3A_211 = arith.constant 0 : index
    %get3A_212 = arith.index_cast %add3A_210 : i32 to index
    %get3A_213 = vector.load %arg8[%get3A_211, %get3A_212] : memref<1x8192xf32, #tpu.memory_space<vmem>>, vector<1x128xf32>
    %add3A_214 = vector.broadcast %get3A_19 : vector<4096x1xf32> to vector<4096x128xf32>
    %add3A_215 = vector.broadcast %get3A_213 : vector<1x128xf32> to vector<4096x128xf32>
    %add3A_216 = arith.addf %add3A_214, %add3A_215 : vector<4096x128xf32>
    %slice3A_217 = vector.extract_strided_slice %dot_general3A_206 {offsets = [0, 0], sizes = [4096, 128], strides = [1, 1]} : vector<4096x512xf32> to vector<4096x128xf32>
    %add3A_218 = arith.addf %add3A_216, %slice3A_217 : vector<4096x128xf32>
    %lt3A_219 = arith.cmpf olt, %add3A_218, %select_n3A_191 : vector<4096x128xf32>
    %select_n3A_220 = arith.select %lt3A_219, %add3A_218, %select_n3A_191 : vector<4096x128xi1>, vector<4096x128xf32>
    %mul3A_221 = arith.constant 32 : i32
    %mul3A_222 = arith.muli %arg0, %mul3A_221 : i32
    %add3A_223 = arith.constant 8 : i32
    %add3A_224 = arith.addi %mul3A_222, %add3A_223 : i32
    %broadcast_in_dim3A_225 = vector.broadcast %add3A_224 : i32 to vector<4096x128xi32>
    %select_n3A_226 = arith.select %lt3A_219, %broadcast_in_dim3A_225, %select_n3A_197 : vector<4096x128xi1>, vector<4096x128xi32>
    %mul3A_227 = arith.constant 4096 : i32
    %mul3A_228 = arith.muli %arg0, %mul3A_227 : i32
    %add3A_229 = arith.constant 1152 : i32
    %add3A_230 = arith.addi %mul3A_228, %add3A_229 : i32
    %get3A_231 = arith.constant 0 : index
    %get3A_232 = arith.index_cast %add3A_230 : i32 to index
    %get3A_233 = vector.load %arg8[%get3A_231, %get3A_232] : memref<1x8192xf32, #tpu.memory_space<vmem>>, vector<1x128xf32>
    %add3A_234 = vector.broadcast %get3A_19 : vector<4096x1xf32> to vector<4096x128xf32>
    %add3A_235 = vector.broadcast %get3A_233 : vector<1x128xf32> to vector<4096x128xf32>
    %add3A_236 = arith.addf %add3A_234, %add3A_235 : vector<4096x128xf32>
    %slice3A_237 = vector.extract_strided_slice %dot_general3A_206 {offsets = [0, 128], sizes = [4096, 128], strides = [1, 1]} : vector<4096x512xf32> to vector<4096x128xf32>
    %add3A_238 = arith.addf %add3A_236, %slice3A_237 : vector<4096x128xf32>
    %lt3A_239 = arith.cmpf olt, %add3A_238, %select_n3A_220 : vector<4096x128xf32>
    %select_n3A_240 = arith.select %lt3A_239, %add3A_238, %select_n3A_220 : vector<4096x128xi1>, vector<4096x128xf32>
    %mul3A_241 = arith.constant 32 : i32
    %mul3A_242 = arith.muli %arg0, %mul3A_241 : i32
    %add3A_243 = arith.constant 9 : i32
    %add3A_244 = arith.addi %mul3A_242, %add3A_243 : i32
    %broadcast_in_dim3A_245 = vector.broadcast %add3A_244 : i32 to vector<4096x128xi32>
    %select_n3A_246 = arith.select %lt3A_239, %broadcast_in_dim3A_245, %select_n3A_226 : vector<4096x128xi1>, vector<4096x128xi32>
    %mul3A_247 = arith.constant 4096 : i32
    %mul3A_248 = arith.muli %arg0, %mul3A_247 : i32
    %add3A_249 = arith.constant 1280 : i32
    %add3A_250 = arith.addi %mul3A_248, %add3A_249 : i32
    %get3A_251 = arith.constant 0 : index
    %get3A_252 = arith.index_cast %add3A_250 : i32 to index
    %get3A_253 = vector.load %arg8[%get3A_251, %get3A_252] : memref<1x8192xf32, #tpu.memory_space<vmem>>, vector<1x128xf32>
    %add3A_254 = vector.broadcast %get3A_19 : vector<4096x1xf32> to vector<4096x128xf32>
    %add3A_255 = vector.broadcast %get3A_253 : vector<1x128xf32> to vector<4096x128xf32>
    %add3A_256 = arith.addf %add3A_254, %add3A_255 : vector<4096x128xf32>
    %slice3A_257 = vector.extract_strided_slice %dot_general3A_206 {offsets = [0, 256], sizes = [4096, 128], strides = [1, 1]} : vector<4096x512xf32> to vector<4096x128xf32>
    %add3A_258 = arith.addf %add3A_256, %slice3A_257 : vector<4096x128xf32>
    %lt3A_259 = arith.cmpf olt, %add3A_258, %select_n3A_240 : vector<4096x128xf32>
    %select_n3A_260 = arith.select %lt3A_259, %add3A_258, %select_n3A_240 : vector<4096x128xi1>, vector<4096x128xf32>
    %mul3A_261 = arith.constant 32 : i32
    %mul3A_262 = arith.muli %arg0, %mul3A_261 : i32
    %add3A_263 = arith.constant 10 : i32
    %add3A_264 = arith.addi %mul3A_262, %add3A_263 : i32
    %broadcast_in_dim3A_265 = vector.broadcast %add3A_264 : i32 to vector<4096x128xi32>
    %select_n3A_266 = arith.select %lt3A_259, %broadcast_in_dim3A_265, %select_n3A_246 : vector<4096x128xi1>, vector<4096x128xi32>
    %mul3A_267 = arith.constant 4096 : i32
    %mul3A_268 = arith.muli %arg0, %mul3A_267 : i32
    %add3A_269 = arith.constant 1408 : i32
    %add3A_270 = arith.addi %mul3A_268, %add3A_269 : i32
    %get3A_271 = arith.constant 0 : index
    %get3A_272 = arith.index_cast %add3A_270 : i32 to index
    %get3A_273 = vector.load %arg8[%get3A_271, %get3A_272] : memref<1x8192xf32, #tpu.memory_space<vmem>>, vector<1x128xf32>
    %add3A_274 = vector.broadcast %get3A_19 : vector<4096x1xf32> to vector<4096x128xf32>
    %add3A_275 = vector.broadcast %get3A_273 : vector<1x128xf32> to vector<4096x128xf32>
    %add3A_276 = arith.addf %add3A_274, %add3A_275 : vector<4096x128xf32>
    %slice3A_277 = vector.extract_strided_slice %dot_general3A_206 {offsets = [0, 384], sizes = [4096, 128], strides = [1, 1]} : vector<4096x512xf32> to vector<4096x128xf32>
    %add3A_278 = arith.addf %add3A_276, %slice3A_277 : vector<4096x128xf32>
    %lt3A_279 = arith.cmpf olt, %add3A_278, %select_n3A_260 : vector<4096x128xf32>
    %select_n3A_280 = arith.select %lt3A_279, %add3A_278, %select_n3A_260 : vector<4096x128xi1>, vector<4096x128xf32>
    %mul3A_281 = arith.constant 32 : i32
    %mul3A_282 = arith.muli %arg0, %mul3A_281 : i32
    %add3A_283 = arith.constant 11 : i32
    %add3A_284 = arith.addi %mul3A_282, %add3A_283 : i32
    %broadcast_in_dim3A_285 = vector.broadcast %add3A_284 : i32 to vector<4096x128xi32>
    %select_n3A_286 = arith.select %lt3A_279, %broadcast_in_dim3A_285, %select_n3A_266 : vector<4096x128xi1>, vector<4096x128xi32>
    %mul3A_287 = arith.constant 4096 : i32
    %mul3A_288 = arith.muli %arg0, %mul3A_287 : i32
    %add3A_289 = arith.constant 1536 : i32
    %add3A_290 = arith.addi %mul3A_288, %add3A_289 : i32
    %get3A_291 = arith.constant 0 : index
    %get3A_292 = arith.index_cast %add3A_290 : i32 to index
    %get3A_293 = vector.load %arg7[%get3A_291, %get3A_292] : memref<256x8192xf32, #tpu.memory_space<vmem>>, vector<256x512xf32>
    %dot_general3A_294 = arith.constant dense<0.000000e+00> : vector<4096x512xf32>
    %dot_general3A_295 = tpu.matmul %get3A_16, %get3A_293, %dot_general3A_294 {dimension_numbers = #tpu.dot_dimension_numbers<[1], [0], [0], [1], [0, 0, 1, 1], [], []>, transpose_lhs_hint = false} : vector<4096x256xf32>, vector<256x512xf32>, vector<4096x512xf32> -> vector<4096x512xf32>
    %mul3A_296 = arith.constant 4096 : i32
    %mul3A_297 = arith.muli %arg0, %mul3A_296 : i32
    %add3A_298 = arith.constant 1536 : i32
    %add3A_299 = arith.addi %mul3A_297, %add3A_298 : i32
    %get3A_300 = arith.constant 0 : index
    %get3A_301 = arith.index_cast %add3A_299 : i32 to index
    %get3A_302 = vector.load %arg8[%get3A_300, %get3A_301] : memref<1x8192xf32, #tpu.memory_space<vmem>>, vector<1x128xf32>
    %add3A_303 = vector.broadcast %get3A_19 : vector<4096x1xf32> to vector<4096x128xf32>
    %add3A_304 = vector.broadcast %get3A_302 : vector<1x128xf32> to vector<4096x128xf32>
    %add3A_305 = arith.addf %add3A_303, %add3A_304 : vector<4096x128xf32>
    %slice3A_306 = vector.extract_strided_slice %dot_general3A_295 {offsets = [0, 0], sizes = [4096, 128], strides = [1, 1]} : vector<4096x512xf32> to vector<4096x128xf32>
    %add3A_307 = arith.addf %add3A_305, %slice3A_306 : vector<4096x128xf32>
    %lt3A_308 = arith.cmpf olt, %add3A_307, %select_n3A_280 : vector<4096x128xf32>
    %select_n3A_309 = arith.select %lt3A_308, %add3A_307, %select_n3A_280 : vector<4096x128xi1>, vector<4096x128xf32>
    %mul3A_310 = arith.constant 32 : i32
    %mul3A_311 = arith.muli %arg0, %mul3A_310 : i32
    %add3A_312 = arith.constant 12 : i32
    %add3A_313 = arith.addi %mul3A_311, %add3A_312 : i32
    %broadcast_in_dim3A_314 = vector.broadcast %add3A_313 : i32 to vector<4096x128xi32>
    %select_n3A_315 = arith.select %lt3A_308, %broadcast_in_dim3A_314, %select_n3A_286 : vector<4096x128xi1>, vector<4096x128xi32>
    %mul3A_316 = arith.constant 4096 : i32
    %mul3A_317 = arith.muli %arg0, %mul3A_316 : i32
    %add3A_318 = arith.constant 1664 : i32
    %add3A_319 = arith.addi %mul3A_317, %add3A_318 : i32
    %get3A_320 = arith.constant 0 : index
    %get3A_321 = arith.index_cast %add3A_319 : i32 to index
    %get3A_322 = vector.load %arg8[%get3A_320, %get3A_321] : memref<1x8192xf32, #tpu.memory_space<vmem>>, vector<1x128xf32>
    %add3A_323 = vector.broadcast %get3A_19 : vector<4096x1xf32> to vector<4096x128xf32>
    %add3A_324 = vector.broadcast %get3A_322 : vector<1x128xf32> to vector<4096x128xf32>
    %add3A_325 = arith.addf %add3A_323, %add3A_324 : vector<4096x128xf32>
    %slice3A_326 = vector.extract_strided_slice %dot_general3A_295 {offsets = [0, 128], sizes = [4096, 128], strides = [1, 1]} : vector<4096x512xf32> to vector<4096x128xf32>
    %add3A_327 = arith.addf %add3A_325, %slice3A_326 : vector<4096x128xf32>
    %lt3A_328 = arith.cmpf olt, %add3A_327, %select_n3A_309 : vector<4096x128xf32>
    %select_n3A_329 = arith.select %lt3A_328, %add3A_327, %select_n3A_309 : vector<4096x128xi1>, vector<4096x128xf32>
    %mul3A_330 = arith.constant 32 : i32
    %mul3A_331 = arith.muli %arg0, %mul3A_330 : i32
    %add3A_332 = arith.constant 13 : i32
    %add3A_333 = arith.addi %mul3A_331, %add3A_332 : i32
    %broadcast_in_dim3A_334 = vector.broadcast %add3A_333 : i32 to vector<4096x128xi32>
    %select_n3A_335 = arith.select %lt3A_328, %broadcast_in_dim3A_334, %select_n3A_315 : vector<4096x128xi1>, vector<4096x128xi32>
    %mul3A_336 = arith.constant 4096 : i32
    %mul3A_337 = arith.muli %arg0, %mul3A_336 : i32
    %add3A_338 = arith.constant 1792 : i32
    %add3A_339 = arith.addi %mul3A_337, %add3A_338 : i32
    %get3A_340 = arith.constant 0 : index
    %get3A_341 = arith.index_cast %add3A_339 : i32 to index
    %get3A_342 = vector.load %arg8[%get3A_340, %get3A_341] : memref<1x8192xf32, #tpu.memory_space<vmem>>, vector<1x128xf32>
    %add3A_343 = vector.broadcast %get3A_19 : vector<4096x1xf32> to vector<4096x128xf32>
    %add3A_344 = vector.broadcast %get3A_342 : vector<1x128xf32> to vector<4096x128xf32>
    %add3A_345 = arith.addf %add3A_343, %add3A_344 : vector<4096x128xf32>
    %slice3A_346 = vector.extract_strided_slice %dot_general3A_295 {offsets = [0, 256], sizes = [4096, 128], strides = [1, 1]} : vector<4096x512xf32> to vector<4096x128xf32>
    %add3A_347 = arith.addf %add3A_345, %slice3A_346 : vector<4096x128xf32>
    %lt3A_348 = arith.cmpf olt, %add3A_347, %select_n3A_329 : vector<4096x128xf32>
    %select_n3A_349 = arith.select %lt3A_348, %add3A_347, %select_n3A_329 : vector<4096x128xi1>, vector<4096x128xf32>
    %mul3A_350 = arith.constant 32 : i32
    %mul3A_351 = arith.muli %arg0, %mul3A_350 : i32
    %add3A_352 = arith.constant 14 : i32
    %add3A_353 = arith.addi %mul3A_351, %add3A_352 : i32
    %broadcast_in_dim3A_354 = vector.broadcast %add3A_353 : i32 to vector<4096x128xi32>
    %select_n3A_355 = arith.select %lt3A_348, %broadcast_in_dim3A_354, %select_n3A_335 : vector<4096x128xi1>, vector<4096x128xi32>
    %mul3A_356 = arith.constant 4096 : i32
    %mul3A_357 = arith.muli %arg0, %mul3A_356 : i32
    %add3A_358 = arith.constant 1920 : i32
    %add3A_359 = arith.addi %mul3A_357, %add3A_358 : i32
    %get3A_360 = arith.constant 0 : index
    %get3A_361 = arith.index_cast %add3A_359 : i32 to index
    %get3A_362 = vector.load %arg8[%get3A_360, %get3A_361] : memref<1x8192xf32, #tpu.memory_space<vmem>>, vector<1x128xf32>
    %add3A_363 = vector.broadcast %get3A_19 : vector<4096x1xf32> to vector<4096x128xf32>
    %add3A_364 = vector.broadcast %get3A_362 : vector<1x128xf32> to vector<4096x128xf32>
    %add3A_365 = arith.addf %add3A_363, %add3A_364 : vector<4096x128xf32>
    %slice3A_366 = vector.extract_strided_slice %dot_general3A_295 {offsets = [0, 384], sizes = [4096, 128], strides = [1, 1]} : vector<4096x512xf32> to vector<4096x128xf32>
    %add3A_367 = arith.addf %add3A_365, %slice3A_366 : vector<4096x128xf32>
    %lt3A_368 = arith.cmpf olt, %add3A_367, %select_n3A_349 : vector<4096x128xf32>
    %select_n3A_369 = arith.select %lt3A_368, %add3A_367, %select_n3A_349 : vector<4096x128xi1>, vector<4096x128xf32>
    %mul3A_370 = arith.constant 32 : i32
    %mul3A_371 = arith.muli %arg0, %mul3A_370 : i32
    %add3A_372 = arith.constant 15 : i32
    %add3A_373 = arith.addi %mul3A_371, %add3A_372 : i32
    %broadcast_in_dim3A_374 = vector.broadcast %add3A_373 : i32 to vector<4096x128xi32>
    %select_n3A_375 = arith.select %lt3A_368, %broadcast_in_dim3A_374, %select_n3A_355 : vector<4096x128xi1>, vector<4096x128xi32>
    %mul3A_376 = arith.constant 4096 : i32
    %mul3A_377 = arith.muli %arg0, %mul3A_376 : i32
    %add3A_378 = arith.constant 2048 : i32
    %add3A_379 = arith.addi %mul3A_377, %add3A_378 : i32
    %get3A_380 = arith.constant 0 : index
    %get3A_381 = arith.index_cast %add3A_379 : i32 to index
    %get3A_382 = vector.load %arg7[%get3A_380, %get3A_381] : memref<256x8192xf32, #tpu.memory_space<vmem>>, vector<256x512xf32>
    %dot_general3A_383 = arith.constant dense<0.000000e+00> : vector<4096x512xf32>
    %dot_general3A_384 = tpu.matmul %get3A_16, %get3A_382, %dot_general3A_383 {dimension_numbers = #tpu.dot_dimension_numbers<[1], [0], [0], [1], [0, 0, 1, 1], [], []>, transpose_lhs_hint = false} : vector<4096x256xf32>, vector<256x512xf32>, vector<4096x512xf32> -> vector<4096x512xf32>
    %mul3A_385 = arith.constant 4096 : i32
    %mul3A_386 = arith.muli %arg0, %mul3A_385 : i32
    %add3A_387 = arith.constant 2048 : i32
    %add3A_388 = arith.addi %mul3A_386, %add3A_387 : i32
    %get3A_389 = arith.constant 0 : index
    %get3A_390 = arith.index_cast %add3A_388 : i32 to index
    %get3A_391 = vector.load %arg8[%get3A_389, %get3A_390] : memref<1x8192xf32, #tpu.memory_space<vmem>>, vector<1x128xf32>
    %add3A_392 = vector.broadcast %get3A_19 : vector<4096x1xf32> to vector<4096x128xf32>
    %add3A_393 = vector.broadcast %get3A_391 : vector<1x128xf32> to vector<4096x128xf32>
    %add3A_394 = arith.addf %add3A_392, %add3A_393 : vector<4096x128xf32>
    %slice3A_395 = vector.extract_strided_slice %dot_general3A_384 {offsets = [0, 0], sizes = [4096, 128], strides = [1, 1]} : vector<4096x512xf32> to vector<4096x128xf32>
    %add3A_396 = arith.addf %add3A_394, %slice3A_395 : vector<4096x128xf32>
    %lt3A_397 = arith.cmpf olt, %add3A_396, %select_n3A_369 : vector<4096x128xf32>
    %select_n3A_398 = arith.select %lt3A_397, %add3A_396, %select_n3A_369 : vector<4096x128xi1>, vector<4096x128xf32>
    %mul3A_399 = arith.constant 32 : i32
    %mul3A_400 = arith.muli %arg0, %mul3A_399 : i32
    %add3A_401 = arith.constant 16 : i32
    %add3A_402 = arith.addi %mul3A_400, %add3A_401 : i32
    %broadcast_in_dim3A_403 = vector.broadcast %add3A_402 : i32 to vector<4096x128xi32>
    %select_n3A_404 = arith.select %lt3A_397, %broadcast_in_dim3A_403, %select_n3A_375 : vector<4096x128xi1>, vector<4096x128xi32>
    %mul3A_405 = arith.constant 4096 : i32
    %mul3A_406 = arith.muli %arg0, %mul3A_405 : i32
    %add3A_407 = arith.constant 2176 : i32
    %add3A_408 = arith.addi %mul3A_406, %add3A_407 : i32
    %get3A_409 = arith.constant 0 : index
    %get3A_410 = arith.index_cast %add3A_408 : i32 to index
    %get3A_411 = vector.load %arg8[%get3A_409, %get3A_410] : memref<1x8192xf32, #tpu.memory_space<vmem>>, vector<1x128xf32>
    %add3A_412 = vector.broadcast %get3A_19 : vector<4096x1xf32> to vector<4096x128xf32>
    %add3A_413 = vector.broadcast %get3A_411 : vector<1x128xf32> to vector<4096x128xf32>
    %add3A_414 = arith.addf %add3A_412, %add3A_413 : vector<4096x128xf32>
    %slice3A_415 = vector.extract_strided_slice %dot_general3A_384 {offsets = [0, 128], sizes = [4096, 128], strides = [1, 1]} : vector<4096x512xf32> to vector<4096x128xf32>
    %add3A_416 = arith.addf %add3A_414, %slice3A_415 : vector<4096x128xf32>
    %lt3A_417 = arith.cmpf olt, %add3A_416, %select_n3A_398 : vector<4096x128xf32>
    %select_n3A_418 = arith.select %lt3A_417, %add3A_416, %select_n3A_398 : vector<4096x128xi1>, vector<4096x128xf32>
    %mul3A_419 = arith.constant 32 : i32
    %mul3A_420 = arith.muli %arg0, %mul3A_419 : i32
    %add3A_421 = arith.constant 17 : i32
    %add3A_422 = arith.addi %mul3A_420, %add3A_421 : i32
    %broadcast_in_dim3A_423 = vector.broadcast %add3A_422 : i32 to vector<4096x128xi32>
    %select_n3A_424 = arith.select %lt3A_417, %broadcast_in_dim3A_423, %select_n3A_404 : vector<4096x128xi1>, vector<4096x128xi32>
    %mul3A_425 = arith.constant 4096 : i32
    %mul3A_426 = arith.muli %arg0, %mul3A_425 : i32
    %add3A_427 = arith.constant 2304 : i32
    %add3A_428 = arith.addi %mul3A_426, %add3A_427 : i32
    %get3A_429 = arith.constant 0 : index
    %get3A_430 = arith.index_cast %add3A_428 : i32 to index
    %get3A_431 = vector.load %arg8[%get3A_429, %get3A_430] : memref<1x8192xf32, #tpu.memory_space<vmem>>, vector<1x128xf32>
    %add3A_432 = vector.broadcast %get3A_19 : vector<4096x1xf32> to vector<4096x128xf32>
    %add3A_433 = vector.broadcast %get3A_431 : vector<1x128xf32> to vector<4096x128xf32>
    %add3A_434 = arith.addf %add3A_432, %add3A_433 : vector<4096x128xf32>
    %slice3A_435 = vector.extract_strided_slice %dot_general3A_384 {offsets = [0, 256], sizes = [4096, 128], strides = [1, 1]} : vector<4096x512xf32> to vector<4096x128xf32>
    %add3A_436 = arith.addf %add3A_434, %slice3A_435 : vector<4096x128xf32>
    %lt3A_437 = arith.cmpf olt, %add3A_436, %select_n3A_418 : vector<4096x128xf32>
    %select_n3A_438 = arith.select %lt3A_437, %add3A_436, %select_n3A_418 : vector<4096x128xi1>, vector<4096x128xf32>
    %mul3A_439 = arith.constant 32 : i32
    %mul3A_440 = arith.muli %arg0, %mul3A_439 : i32
    %add3A_441 = arith.constant 18 : i32
    %add3A_442 = arith.addi %mul3A_440, %add3A_441 : i32
    %broadcast_in_dim3A_443 = vector.broadcast %add3A_442 : i32 to vector<4096x128xi32>
    %select_n3A_444 = arith.select %lt3A_437, %broadcast_in_dim3A_443, %select_n3A_424 : vector<4096x128xi1>, vector<4096x128xi32>
    %mul3A_445 = arith.constant 4096 : i32
    %mul3A_446 = arith.muli %arg0, %mul3A_445 : i32
    %add3A_447 = arith.constant 2432 : i32
    %add3A_448 = arith.addi %mul3A_446, %add3A_447 : i32
    %get3A_449 = arith.constant 0 : index
    %get3A_450 = arith.index_cast %add3A_448 : i32 to index
    %get3A_451 = vector.load %arg8[%get3A_449, %get3A_450] : memref<1x8192xf32, #tpu.memory_space<vmem>>, vector<1x128xf32>
    %add3A_452 = vector.broadcast %get3A_19 : vector<4096x1xf32> to vector<4096x128xf32>
    %add3A_453 = vector.broadcast %get3A_451 : vector<1x128xf32> to vector<4096x128xf32>
    %add3A_454 = arith.addf %add3A_452, %add3A_453 : vector<4096x128xf32>
    %slice3A_455 = vector.extract_strided_slice %dot_general3A_384 {offsets = [0, 384], sizes = [4096, 128], strides = [1, 1]} : vector<4096x512xf32> to vector<4096x128xf32>
    %add3A_456 = arith.addf %add3A_454, %slice3A_455 : vector<4096x128xf32>
    %lt3A_457 = arith.cmpf olt, %add3A_456, %select_n3A_438 : vector<4096x128xf32>
    %select_n3A_458 = arith.select %lt3A_457, %add3A_456, %select_n3A_438 : vector<4096x128xi1>, vector<4096x128xf32>
    %mul3A_459 = arith.constant 32 : i32
    %mul3A_460 = arith.muli %arg0, %mul3A_459 : i32
    %add3A_461 = arith.constant 19 : i32
    %add3A_462 = arith.addi %mul3A_460, %add3A_461 : i32
    %broadcast_in_dim3A_463 = vector.broadcast %add3A_462 : i32 to vector<4096x128xi32>
    %select_n3A_464 = arith.select %lt3A_457, %broadcast_in_dim3A_463, %select_n3A_444 : vector<4096x128xi1>, vector<4096x128xi32>
    %mul3A_465 = arith.constant 4096 : i32
    %mul3A_466 = arith.muli %arg0, %mul3A_465 : i32
    %add3A_467 = arith.constant 2560 : i32
    %add3A_468 = arith.addi %mul3A_466, %add3A_467 : i32
    %get3A_469 = arith.constant 0 : index
    %get3A_470 = arith.index_cast %add3A_468 : i32 to index
    %get3A_471 = vector.load %arg7[%get3A_469, %get3A_470] : memref<256x8192xf32, #tpu.memory_space<vmem>>, vector<256x512xf32>
    %dot_general3A_472 = arith.constant dense<0.000000e+00> : vector<4096x512xf32>
    %dot_general3A_473 = tpu.matmul %get3A_16, %get3A_471, %dot_general3A_472 {dimension_numbers = #tpu.dot_dimension_numbers<[1], [0], [0], [1], [0, 0, 1, 1], [], []>, transpose_lhs_hint = false} : vector<4096x256xf32>, vector<256x512xf32>, vector<4096x512xf32> -> vector<4096x512xf32>
    %mul3A_474 = arith.constant 4096 : i32
    %mul3A_475 = arith.muli %arg0, %mul3A_474 : i32
    %add3A_476 = arith.constant 2560 : i32
    %add3A_477 = arith.addi %mul3A_475, %add3A_476 : i32
    %get3A_478 = arith.constant 0 : index
    %get3A_479 = arith.index_cast %add3A_477 : i32 to index
    %get3A_480 = vector.load %arg8[%get3A_478, %get3A_479] : memref<1x8192xf32, #tpu.memory_space<vmem>>, vector<1x128xf32>
    %add3A_481 = vector.broadcast %get3A_19 : vector<4096x1xf32> to vector<4096x128xf32>
    %add3A_482 = vector.broadcast %get3A_480 : vector<1x128xf32> to vector<4096x128xf32>
    %add3A_483 = arith.addf %add3A_481, %add3A_482 : vector<4096x128xf32>
    %slice3A_484 = vector.extract_strided_slice %dot_general3A_473 {offsets = [0, 0], sizes = [4096, 128], strides = [1, 1]} : vector<4096x512xf32> to vector<4096x128xf32>
    %add3A_485 = arith.addf %add3A_483, %slice3A_484 : vector<4096x128xf32>
    %lt3A_486 = arith.cmpf olt, %add3A_485, %select_n3A_458 : vector<4096x128xf32>
    %select_n3A_487 = arith.select %lt3A_486, %add3A_485, %select_n3A_458 : vector<4096x128xi1>, vector<4096x128xf32>
    %mul3A_488 = arith.constant 32 : i32
    %mul3A_489 = arith.muli %arg0, %mul3A_488 : i32
    %add3A_490 = arith.constant 20 : i32
    %add3A_491 = arith.addi %mul3A_489, %add3A_490 : i32
    %broadcast_in_dim3A_492 = vector.broadcast %add3A_491 : i32 to vector<4096x128xi32>
    %select_n3A_493 = arith.select %lt3A_486, %broadcast_in_dim3A_492, %select_n3A_464 : vector<4096x128xi1>, vector<4096x128xi32>
    %mul3A_494 = arith.constant 4096 : i32
    %mul3A_495 = arith.muli %arg0, %mul3A_494 : i32
    %add3A_496 = arith.constant 2688 : i32
    %add3A_497 = arith.addi %mul3A_495, %add3A_496 : i32
    %get3A_498 = arith.constant 0 : index
    %get3A_499 = arith.index_cast %add3A_497 : i32 to index
    %get3A_500 = vector.load %arg8[%get3A_498, %get3A_499] : memref<1x8192xf32, #tpu.memory_space<vmem>>, vector<1x128xf32>
    %add3A_501 = vector.broadcast %get3A_19 : vector<4096x1xf32> to vector<4096x128xf32>
    %add3A_502 = vector.broadcast %get3A_500 : vector<1x128xf32> to vector<4096x128xf32>
    %add3A_503 = arith.addf %add3A_501, %add3A_502 : vector<4096x128xf32>
    %slice3A_504 = vector.extract_strided_slice %dot_general3A_473 {offsets = [0, 128], sizes = [4096, 128], strides = [1, 1]} : vector<4096x512xf32> to vector<4096x128xf32>
    %add3A_505 = arith.addf %add3A_503, %slice3A_504 : vector<4096x128xf32>
    %lt3A_506 = arith.cmpf olt, %add3A_505, %select_n3A_487 : vector<4096x128xf32>
    %select_n3A_507 = arith.select %lt3A_506, %add3A_505, %select_n3A_487 : vector<4096x128xi1>, vector<4096x128xf32>
    %mul3A_508 = arith.constant 32 : i32
    %mul3A_509 = arith.muli %arg0, %mul3A_508 : i32
    %add3A_510 = arith.constant 21 : i32
    %add3A_511 = arith.addi %mul3A_509, %add3A_510 : i32
    %broadcast_in_dim3A_512 = vector.broadcast %add3A_511 : i32 to vector<4096x128xi32>
    %select_n3A_513 = arith.select %lt3A_506, %broadcast_in_dim3A_512, %select_n3A_493 : vector<4096x128xi1>, vector<4096x128xi32>
    %mul3A_514 = arith.constant 4096 : i32
    %mul3A_515 = arith.muli %arg0, %mul3A_514 : i32
    %add3A_516 = arith.constant 2816 : i32
    %add3A_517 = arith.addi %mul3A_515, %add3A_516 : i32
    %get3A_518 = arith.constant 0 : index
    %get3A_519 = arith.index_cast %add3A_517 : i32 to index
    %get3A_520 = vector.load %arg8[%get3A_518, %get3A_519] : memref<1x8192xf32, #tpu.memory_space<vmem>>, vector<1x128xf32>
    %add3A_521 = vector.broadcast %get3A_19 : vector<4096x1xf32> to vector<4096x128xf32>
    %add3A_522 = vector.broadcast %get3A_520 : vector<1x128xf32> to vector<4096x128xf32>
    %add3A_523 = arith.addf %add3A_521, %add3A_522 : vector<4096x128xf32>
    %slice3A_524 = vector.extract_strided_slice %dot_general3A_473 {offsets = [0, 256], sizes = [4096, 128], strides = [1, 1]} : vector<4096x512xf32> to vector<4096x128xf32>
    %add3A_525 = arith.addf %add3A_523, %slice3A_524 : vector<4096x128xf32>
    %lt3A_526 = arith.cmpf olt, %add3A_525, %select_n3A_507 : vector<4096x128xf32>
    %select_n3A_527 = arith.select %lt3A_526, %add3A_525, %select_n3A_507 : vector<4096x128xi1>, vector<4096x128xf32>
    %mul3A_528 = arith.constant 32 : i32
    %mul3A_529 = arith.muli %arg0, %mul3A_528 : i32
    %add3A_530 = arith.constant 22 : i32
    %add3A_531 = arith.addi %mul3A_529, %add3A_530 : i32
    %broadcast_in_dim3A_532 = vector.broadcast %add3A_531 : i32 to vector<4096x128xi32>
    %select_n3A_533 = arith.select %lt3A_526, %broadcast_in_dim3A_532, %select_n3A_513 : vector<4096x128xi1>, vector<4096x128xi32>
    %mul3A_534 = arith.constant 4096 : i32
    %mul3A_535 = arith.muli %arg0, %mul3A_534 : i32
    %add3A_536 = arith.constant 2944 : i32
    %add3A_537 = arith.addi %mul3A_535, %add3A_536 : i32
    %get3A_538 = arith.constant 0 : index
    %get3A_539 = arith.index_cast %add3A_537 : i32 to index
    %get3A_540 = vector.load %arg8[%get3A_538, %get3A_539] : memref<1x8192xf32, #tpu.memory_space<vmem>>, vector<1x128xf32>
    %add3A_541 = vector.broadcast %get3A_19 : vector<4096x1xf32> to vector<4096x128xf32>
    %add3A_542 = vector.broadcast %get3A_540 : vector<1x128xf32> to vector<4096x128xf32>
    %add3A_543 = arith.addf %add3A_541, %add3A_542 : vector<4096x128xf32>
    %slice3A_544 = vector.extract_strided_slice %dot_general3A_473 {offsets = [0, 384], sizes = [4096, 128], strides = [1, 1]} : vector<4096x512xf32> to vector<4096x128xf32>
    %add3A_545 = arith.addf %add3A_543, %slice3A_544 : vector<4096x128xf32>
    %lt3A_546 = arith.cmpf olt, %add3A_545, %select_n3A_527 : vector<4096x128xf32>
    %select_n3A_547 = arith.select %lt3A_546, %add3A_545, %select_n3A_527 : vector<4096x128xi1>, vector<4096x128xf32>
    %mul3A_548 = arith.constant 32 : i32
    %mul3A_549 = arith.muli %arg0, %mul3A_548 : i32
    %add3A_550 = arith.constant 23 : i32
    %add3A_551 = arith.addi %mul3A_549, %add3A_550 : i32
    %broadcast_in_dim3A_552 = vector.broadcast %add3A_551 : i32 to vector<4096x128xi32>
    %select_n3A_553 = arith.select %lt3A_546, %broadcast_in_dim3A_552, %select_n3A_533 : vector<4096x128xi1>, vector<4096x128xi32>
    %mul3A_554 = arith.constant 4096 : i32
    %mul3A_555 = arith.muli %arg0, %mul3A_554 : i32
    %add3A_556 = arith.constant 3072 : i32
    %add3A_557 = arith.addi %mul3A_555, %add3A_556 : i32
    %get3A_558 = arith.constant 0 : index
    %get3A_559 = arith.index_cast %add3A_557 : i32 to index
    %get3A_560 = vector.load %arg7[%get3A_558, %get3A_559] : memref<256x8192xf32, #tpu.memory_space<vmem>>, vector<256x512xf32>
    %dot_general3A_561 = arith.constant dense<0.000000e+00> : vector<4096x512xf32>
    %dot_general3A_562 = tpu.matmul %get3A_16, %get3A_560, %dot_general3A_561 {dimension_numbers = #tpu.dot_dimension_numbers<[1], [0], [0], [1], [0, 0, 1, 1], [], []>, transpose_lhs_hint = false} : vector<4096x256xf32>, vector<256x512xf32>, vector<4096x512xf32> -> vector<4096x512xf32>
    %mul3A_563 = arith.constant 4096 : i32
    %mul3A_564 = arith.muli %arg0, %mul3A_563 : i32
    %add3A_565 = arith.constant 3072 : i32
    %add3A_566 = arith.addi %mul3A_564, %add3A_565 : i32
    %get3A_567 = arith.constant 0 : index
    %get3A_568 = arith.index_cast %add3A_566 : i32 to index
    %get3A_569 = vector.load %arg8[%get3A_567, %get3A_568] : memref<1x8192xf32, #tpu.memory_space<vmem>>, vector<1x128xf32>
    %add3A_570 = vector.broadcast %get3A_19 : vector<4096x1xf32> to vector<4096x128xf32>
    %add3A_571 = vector.broadcast %get3A_569 : vector<1x128xf32> to vector<4096x128xf32>
    %add3A_572 = arith.addf %add3A_570, %add3A_571 : vector<4096x128xf32>
    %slice3A_573 = vector.extract_strided_slice %dot_general3A_562 {offsets = [0, 0], sizes = [4096, 128], strides = [1, 1]} : vector<4096x512xf32> to vector<4096x128xf32>
    %add3A_574 = arith.addf %add3A_572, %slice3A_573 : vector<4096x128xf32>
    %lt3A_575 = arith.cmpf olt, %add3A_574, %select_n3A_547 : vector<4096x128xf32>
    %select_n3A_576 = arith.select %lt3A_575, %add3A_574, %select_n3A_547 : vector<4096x128xi1>, vector<4096x128xf32>
    %mul3A_577 = arith.constant 32 : i32
    %mul3A_578 = arith.muli %arg0, %mul3A_577 : i32
    %add3A_579 = arith.constant 24 : i32
    %add3A_580 = arith.addi %mul3A_578, %add3A_579 : i32
    %broadcast_in_dim3A_581 = vector.broadcast %add3A_580 : i32 to vector<4096x128xi32>
    %select_n3A_582 = arith.select %lt3A_575, %broadcast_in_dim3A_581, %select_n3A_553 : vector<4096x128xi1>, vector<4096x128xi32>
    %mul3A_583 = arith.constant 4096 : i32
    %mul3A_584 = arith.muli %arg0, %mul3A_583 : i32
    %add3A_585 = arith.constant 3200 : i32
    %add3A_586 = arith.addi %mul3A_584, %add3A_585 : i32
    %get3A_587 = arith.constant 0 : index
    %get3A_588 = arith.index_cast %add3A_586 : i32 to index
    %get3A_589 = vector.load %arg8[%get3A_587, %get3A_588] : memref<1x8192xf32, #tpu.memory_space<vmem>>, vector<1x128xf32>
    %add3A_590 = vector.broadcast %get3A_19 : vector<4096x1xf32> to vector<4096x128xf32>
    %add3A_591 = vector.broadcast %get3A_589 : vector<1x128xf32> to vector<4096x128xf32>
    %add3A_592 = arith.addf %add3A_590, %add3A_591 : vector<4096x128xf32>
    %slice3A_593 = vector.extract_strided_slice %dot_general3A_562 {offsets = [0, 128], sizes = [4096, 128], strides = [1, 1]} : vector<4096x512xf32> to vector<4096x128xf32>
    %add3A_594 = arith.addf %add3A_592, %slice3A_593 : vector<4096x128xf32>
    %lt3A_595 = arith.cmpf olt, %add3A_594, %select_n3A_576 : vector<4096x128xf32>
    %select_n3A_596 = arith.select %lt3A_595, %add3A_594, %select_n3A_576 : vector<4096x128xi1>, vector<4096x128xf32>
    %mul3A_597 = arith.constant 32 : i32
    %mul3A_598 = arith.muli %arg0, %mul3A_597 : i32
    %add3A_599 = arith.constant 25 : i32
    %add3A_600 = arith.addi %mul3A_598, %add3A_599 : i32
    %broadcast_in_dim3A_601 = vector.broadcast %add3A_600 : i32 to vector<4096x128xi32>
    %select_n3A_602 = arith.select %lt3A_595, %broadcast_in_dim3A_601, %select_n3A_582 : vector<4096x128xi1>, vector<4096x128xi32>
    %mul3A_603 = arith.constant 4096 : i32
    %mul3A_604 = arith.muli %arg0, %mul3A_603 : i32
    %add3A_605 = arith.constant 3328 : i32
    %add3A_606 = arith.addi %mul3A_604, %add3A_605 : i32
    %get3A_607 = arith.constant 0 : index
    %get3A_608 = arith.index_cast %add3A_606 : i32 to index
    %get3A_609 = vector.load %arg8[%get3A_607, %get3A_608] : memref<1x8192xf32, #tpu.memory_space<vmem>>, vector<1x128xf32>
    %add3A_610 = vector.broadcast %get3A_19 : vector<4096x1xf32> to vector<4096x128xf32>
    %add3A_611 = vector.broadcast %get3A_609 : vector<1x128xf32> to vector<4096x128xf32>
    %add3A_612 = arith.addf %add3A_610, %add3A_611 : vector<4096x128xf32>
    %slice3A_613 = vector.extract_strided_slice %dot_general3A_562 {offsets = [0, 256], sizes = [4096, 128], strides = [1, 1]} : vector<4096x512xf32> to vector<4096x128xf32>
    %add3A_614 = arith.addf %add3A_612, %slice3A_613 : vector<4096x128xf32>
    %lt3A_615 = arith.cmpf olt, %add3A_614, %select_n3A_596 : vector<4096x128xf32>
    %select_n3A_616 = arith.select %lt3A_615, %add3A_614, %select_n3A_596 : vector<4096x128xi1>, vector<4096x128xf32>
    %mul3A_617 = arith.constant 32 : i32
    %mul3A_618 = arith.muli %arg0, %mul3A_617 : i32
    %add3A_619 = arith.constant 26 : i32
    %add3A_620 = arith.addi %mul3A_618, %add3A_619 : i32
    %broadcast_in_dim3A_621 = vector.broadcast %add3A_620 : i32 to vector<4096x128xi32>
    %select_n3A_622 = arith.select %lt3A_615, %broadcast_in_dim3A_621, %select_n3A_602 : vector<4096x128xi1>, vector<4096x128xi32>
    %mul3A_623 = arith.constant 4096 : i32
    %mul3A_624 = arith.muli %arg0, %mul3A_623 : i32
    %add3A_625 = arith.constant 3456 : i32
    %add3A_626 = arith.addi %mul3A_624, %add3A_625 : i32
    %get3A_627 = arith.constant 0 : index
    %get3A_628 = arith.index_cast %add3A_626 : i32 to index
    %get3A_629 = vector.load %arg8[%get3A_627, %get3A_628] : memref<1x8192xf32, #tpu.memory_space<vmem>>, vector<1x128xf32>
    %add3A_630 = vector.broadcast %get3A_19 : vector<4096x1xf32> to vector<4096x128xf32>
    %add3A_631 = vector.broadcast %get3A_629 : vector<1x128xf32> to vector<4096x128xf32>
    %add3A_632 = arith.addf %add3A_630, %add3A_631 : vector<4096x128xf32>
    %slice3A_633 = vector.extract_strided_slice %dot_general3A_562 {offsets = [0, 384], sizes = [4096, 128], strides = [1, 1]} : vector<4096x512xf32> to vector<4096x128xf32>
    %add3A_634 = arith.addf %add3A_632, %slice3A_633 : vector<4096x128xf32>
    %lt3A_635 = arith.cmpf olt, %add3A_634, %select_n3A_616 : vector<4096x128xf32>
    %select_n3A_636 = arith.select %lt3A_635, %add3A_634, %select_n3A_616 : vector<4096x128xi1>, vector<4096x128xf32>
    %mul3A_637 = arith.constant 32 : i32
    %mul3A_638 = arith.muli %arg0, %mul3A_637 : i32
    %add3A_639 = arith.constant 27 : i32
    %add3A_640 = arith.addi %mul3A_638, %add3A_639 : i32
    %broadcast_in_dim3A_641 = vector.broadcast %add3A_640 : i32 to vector<4096x128xi32>
    %select_n3A_642 = arith.select %lt3A_635, %broadcast_in_dim3A_641, %select_n3A_622 : vector<4096x128xi1>, vector<4096x128xi32>
    %mul3A_643 = arith.constant 4096 : i32
    %mul3A_644 = arith.muli %arg0, %mul3A_643 : i32
    %add3A_645 = arith.constant 3584 : i32
    %add3A_646 = arith.addi %mul3A_644, %add3A_645 : i32
    %get3A_647 = arith.constant 0 : index
    %get3A_648 = arith.index_cast %add3A_646 : i32 to index
    %get3A_649 = vector.load %arg7[%get3A_647, %get3A_648] : memref<256x8192xf32, #tpu.memory_space<vmem>>, vector<256x512xf32>
    %dot_general3A_650 = arith.constant dense<0.000000e+00> : vector<4096x512xf32>
    %dot_general3A_651 = tpu.matmul %get3A_16, %get3A_649, %dot_general3A_650 {dimension_numbers = #tpu.dot_dimension_numbers<[1], [0], [0], [1], [0, 0, 1, 1], [], []>, transpose_lhs_hint = false} : vector<4096x256xf32>, vector<256x512xf32>, vector<4096x512xf32> -> vector<4096x512xf32>
    %mul3A_652 = arith.constant 4096 : i32
    %mul3A_653 = arith.muli %arg0, %mul3A_652 : i32
    %add3A_654 = arith.constant 3584 : i32
    %add3A_655 = arith.addi %mul3A_653, %add3A_654 : i32
    %get3A_656 = arith.constant 0 : index
    %get3A_657 = arith.index_cast %add3A_655 : i32 to index
    %get3A_658 = vector.load %arg8[%get3A_656, %get3A_657] : memref<1x8192xf32, #tpu.memory_space<vmem>>, vector<1x128xf32>
    %add3A_659 = vector.broadcast %get3A_19 : vector<4096x1xf32> to vector<4096x128xf32>
    %add3A_660 = vector.broadcast %get3A_658 : vector<1x128xf32> to vector<4096x128xf32>
    %add3A_661 = arith.addf %add3A_659, %add3A_660 : vector<4096x128xf32>
    %slice3A_662 = vector.extract_strided_slice %dot_general3A_651 {offsets = [0, 0], sizes = [4096, 128], strides = [1, 1]} : vector<4096x512xf32> to vector<4096x128xf32>
    %add3A_663 = arith.addf %add3A_661, %slice3A_662 : vector<4096x128xf32>
    %lt3A_664 = arith.cmpf olt, %add3A_663, %select_n3A_636 : vector<4096x128xf32>
    %select_n3A_665 = arith.select %lt3A_664, %add3A_663, %select_n3A_636 : vector<4096x128xi1>, vector<4096x128xf32>
    %mul3A_666 = arith.constant 32 : i32
    %mul3A_667 = arith.muli %arg0, %mul3A_666 : i32
    %add3A_668 = arith.constant 28 : i32
    %add3A_669 = arith.addi %mul3A_667, %add3A_668 : i32
    %broadcast_in_dim3A_670 = vector.broadcast %add3A_669 : i32 to vector<4096x128xi32>
    %select_n3A_671 = arith.select %lt3A_664, %broadcast_in_dim3A_670, %select_n3A_642 : vector<4096x128xi1>, vector<4096x128xi32>
    %mul3A_672 = arith.constant 4096 : i32
    %mul3A_673 = arith.muli %arg0, %mul3A_672 : i32
    %add3A_674 = arith.constant 3712 : i32
    %add3A_675 = arith.addi %mul3A_673, %add3A_674 : i32
    %get3A_676 = arith.constant 0 : index
    %get3A_677 = arith.index_cast %add3A_675 : i32 to index
    %get3A_678 = vector.load %arg8[%get3A_676, %get3A_677] : memref<1x8192xf32, #tpu.memory_space<vmem>>, vector<1x128xf32>
    %add3A_679 = vector.broadcast %get3A_19 : vector<4096x1xf32> to vector<4096x128xf32>
    %add3A_680 = vector.broadcast %get3A_678 : vector<1x128xf32> to vector<4096x128xf32>
    %add3A_681 = arith.addf %add3A_679, %add3A_680 : vector<4096x128xf32>
    %slice3A_682 = vector.extract_strided_slice %dot_general3A_651 {offsets = [0, 128], sizes = [4096, 128], strides = [1, 1]} : vector<4096x512xf32> to vector<4096x128xf32>
    %add3A_683 = arith.addf %add3A_681, %slice3A_682 : vector<4096x128xf32>
    %lt3A_684 = arith.cmpf olt, %add3A_683, %select_n3A_665 : vector<4096x128xf32>
    %select_n3A_685 = arith.select %lt3A_684, %add3A_683, %select_n3A_665 : vector<4096x128xi1>, vector<4096x128xf32>
    %mul3A_686 = arith.constant 32 : i32
    %mul3A_687 = arith.muli %arg0, %mul3A_686 : i32
    %add3A_688 = arith.constant 29 : i32
    %add3A_689 = arith.addi %mul3A_687, %add3A_688 : i32
    %broadcast_in_dim3A_690 = vector.broadcast %add3A_689 : i32 to vector<4096x128xi32>
    %select_n3A_691 = arith.select %lt3A_684, %broadcast_in_dim3A_690, %select_n3A_671 : vector<4096x128xi1>, vector<4096x128xi32>
    %mul3A_692 = arith.constant 4096 : i32
    %mul3A_693 = arith.muli %arg0, %mul3A_692 : i32
    %add3A_694 = arith.constant 3840 : i32
    %add3A_695 = arith.addi %mul3A_693, %add3A_694 : i32
    %get3A_696 = arith.constant 0 : index
    %get3A_697 = arith.index_cast %add3A_695 : i32 to index
    %get3A_698 = vector.load %arg8[%get3A_696, %get3A_697] : memref<1x8192xf32, #tpu.memory_space<vmem>>, vector<1x128xf32>
    %add3A_699 = vector.broadcast %get3A_19 : vector<4096x1xf32> to vector<4096x128xf32>
    %add3A_700 = vector.broadcast %get3A_698 : vector<1x128xf32> to vector<4096x128xf32>
    %add3A_701 = arith.addf %add3A_699, %add3A_700 : vector<4096x128xf32>
    %slice3A_702 = vector.extract_strided_slice %dot_general3A_651 {offsets = [0, 256], sizes = [4096, 128], strides = [1, 1]} : vector<4096x512xf32> to vector<4096x128xf32>
    %add3A_703 = arith.addf %add3A_701, %slice3A_702 : vector<4096x128xf32>
    %lt3A_704 = arith.cmpf olt, %add3A_703, %select_n3A_685 : vector<4096x128xf32>
    %select_n3A_705 = arith.select %lt3A_704, %add3A_703, %select_n3A_685 : vector<4096x128xi1>, vector<4096x128xf32>
    %mul3A_706 = arith.constant 32 : i32
    %mul3A_707 = arith.muli %arg0, %mul3A_706 : i32
    %add3A_708 = arith.constant 30 : i32
    %add3A_709 = arith.addi %mul3A_707, %add3A_708 : i32
    %broadcast_in_dim3A_710 = vector.broadcast %add3A_709 : i32 to vector<4096x128xi32>
    %select_n3A_711 = arith.select %lt3A_704, %broadcast_in_dim3A_710, %select_n3A_691 : vector<4096x128xi1>, vector<4096x128xi32>
    %mul3A_712 = arith.constant 4096 : i32
    %mul3A_713 = arith.muli %arg0, %mul3A_712 : i32
    %add3A_714 = arith.constant 3968 : i32
    %add3A_715 = arith.addi %mul3A_713, %add3A_714 : i32
    %get3A_716 = arith.constant 0 : index
    %get3A_717 = arith.index_cast %add3A_715 : i32 to index
    %get3A_718 = vector.load %arg8[%get3A_716, %get3A_717] : memref<1x8192xf32, #tpu.memory_space<vmem>>, vector<1x128xf32>
    %add3A_719 = vector.broadcast %get3A_19 : vector<4096x1xf32> to vector<4096x128xf32>
    %add3A_720 = vector.broadcast %get3A_718 : vector<1x128xf32> to vector<4096x128xf32>
    %add3A_721 = arith.addf %add3A_719, %add3A_720 : vector<4096x128xf32>
    %slice3A_722 = vector.extract_strided_slice %dot_general3A_651 {offsets = [0, 384], sizes = [4096, 128], strides = [1, 1]} : vector<4096x512xf32> to vector<4096x128xf32>
    %add3A_723 = arith.addf %add3A_721, %slice3A_722 : vector<4096x128xf32>
    %lt3A_724 = arith.cmpf olt, %add3A_723, %select_n3A_705 : vector<4096x128xf32>
    %select_n3A_725 = arith.select %lt3A_724, %add3A_723, %select_n3A_705 : vector<4096x128xi1>, vector<4096x128xf32>
    %mul3A_726 = arith.constant 32 : i32
    %mul3A_727 = arith.muli %arg0, %mul3A_726 : i32
    %add3A_728 = arith.constant 31 : i32
    %add3A_729 = arith.addi %mul3A_727, %add3A_728 : i32
    %broadcast_in_dim3A_730 = vector.broadcast %add3A_729 : i32 to vector<4096x128xi32>
    %select_n3A_731 = arith.select %lt3A_724, %broadcast_in_dim3A_730, %select_n3A_711 : vector<4096x128xi1>, vector<4096x128xi32>
    %swap3A = arith.index_cast %mul3A_9 : i32 to index
    %swap3A_732 = arith.constant 0 : index
    %swap3A_733 = vector.load %arg9[%swap3A, %swap3A_732] : memref<4096x128xf32, #tpu.memory_space<vmem>>, vector<4096x128xf32>
    tpu.vector_store %arg9[%swap3A, %swap3A_732], %select_n3A_725 {strides = array<i32>} : memref<4096x128xf32, #tpu.memory_space<vmem>>, vector<4096x128xf32>,
    %swap3A_734 = arith.index_cast %mul3A_9 : i32 to index
    %swap3A_735 = arith.constant 0 : index
    %swap3A_736 = vector.load %arg10[%swap3A_734, %swap3A_735] : memref<4096x128xi32, #tpu.memory_space<vmem>>, vector<4096x128xi32>
    tpu.vector_store %arg10[%swap3A_734, %swap3A_735], %select_n3A_731 {strides = array<i32>} : memref<4096x128xi32, #tpu.memory_space<vmem>>, vector<4096x128xi32>,
    %eq3A_737 = arith.constant 1 : i32
    %eq3A_738 = arith.cmpi eq, %arg0, %eq3A_737 : i32
    %convert_element_type3A_739 = arith.extui %eq3A_738 : i1 to i32
    %cond3A_740 = arith.constant 0 : i32
    %cond3A_741 = arith.cmpi ne, %convert_element_type3A_739, %cond3A_740 : i32
    scf.if %cond3A_741 {
      %iota3A = tpu.iota {dimensions = array<i32: 1>} : vector<4096x128xi32>
      %mul3A_742 = arith.constant 128 : i32
      %mul3A_743 = vector.broadcast %mul3A_742 : i32 to vector<4096x128xi32>
      %mul3A_744 = arith.muli %select_n3A_731, %mul3A_743 : vector<4096x128xi32>
      %add3A_745 = arith.addi %mul3A_744, %iota3A : vector<4096x128xi32>
      %reduce_min3A = arith.constant dense<0x7F800000> : vector<4096xf32>
      %reduce_min3A_746 = vector.multi_reduction <minimumf>, %select_n3A_725, %reduce_min3A [1] : vector<4096x128xf32> to vector<4096xf32>
      %broadcast_in_dim3A_747 = vector.shape_cast %reduce_min3A_746 : vector<4096xf32> to vector<4096x1xf32>
      %eq3A_748 = vector.broadcast %broadcast_in_dim3A_747 : vector<4096x1xf32> to vector<4096x128xf32>
      %eq3A_749 = arith.cmpf oeq, %select_n3A_725, %eq3A_748 : vector<4096x128xf32>
      %jit3A = arith.constant 1073741824 : i32
      %broadcast_in_dim3A_750 = vector.broadcast %jit3A : i32 to vector<4096x128xi32>
      %select_n3A_751 = arith.select %eq3A_749, %add3A_745, %broadcast_in_dim3A_750 : vector<4096x128xi1>, vector<4096x128xi32>
      %reduce_min3A_752 = arith.constant dense<2147483647> : vector<4096xi32>
      %reduce_min3A_753 = vector.multi_reduction <minsi>, %select_n3A_751, %reduce_min3A_752 [1] : vector<4096x128xi32> to vector<4096xi32>
      %broadcast_in_dim3A_754 = vector.shape_cast %reduce_min3A_753 : vector<4096xi32> to vector<4096x1xi32>
      %swap3A_755 = arith.constant 0 : index
      %swap3A_756 = arith.constant 0 : index
      %swap3A_757 = vector.load %arg6[%swap3A_755, %swap3A_756] : memref<4096x1xi32, #tpu.memory_space<vmem>>, vector<4096x1xi32>
      tpu.vector_store %arg6[%swap3A_755, %swap3A_756], %broadcast_in_dim3A_754 {strides = array<i32>} : memref<4096x1xi32, #tpu.memory_space<vmem>>, vector<4096x1xi32>,
    } else {
    }
    return
  }
  func.func @transform_0(%arg0: i32, %arg1: i32) -> (i32, i32) {
    %c0_i32 = arith.constant 0 : i32
    %c0_i32_0 = arith.constant 0 : i32
    %c0_i32_1 = arith.constant 0 : i32
    return %c0_i32, %c0_i32_0 : i32, i32
  }
  func.func @transform_1(%arg0: i32, %arg1: i32) -> (i32, i32) {
    %c0_i32 = arith.constant 0 : i32
    %c0_i32_0 = arith.constant 0 : i32
    %c0_i32_1 = arith.constant 0 : i32
    return %c0_i32, %c0_i32_0 : i32, i32
  }
  func.func @transform_2(%arg0: i32, %arg1: i32) -> (i32, i32) {
    %c0_i32 = arith.constant 0 : i32
    %c0_i32_0 = arith.constant 0 : i32
    %c0_i32_1 = arith.constant 0 : i32
    return %c0_i32, %c0_i32_0 : i32, i32
  }
  func.func @transform_3(%arg0: i32, %arg1: i32) -> (i32, i32) {
    %c0_i32 = arith.constant 0 : i32
    %c0_i32_0 = arith.constant 0 : i32
    return %arg0, %c0_i32 : i32, i32
  }
  func.func @transform_4(%arg0: i32, %arg1: i32) -> (i32, i32) {
    %c0_i32 = arith.constant 0 : i32
    %c0_i32_0 = arith.constant 0 : i32
    return %arg1, %c0_i32 : i32, i32
  }
}

</mosaic_0001>

<sc_bundles>
// kernel: kernel.4.cloned.1.call-start
scs
__scs_entry_jumppad:
0x0: {  	(pc) =	sbr.rel $0x88, $3  }
0x1: {  	(tag) =	ssettag $0x0;
	lr =	simm.s32 $0x1  }
0x2: {  	[smem:$0x3F9F] =	sst lr;
	_ =	strace $0xD0000000  }
0x3: {  	_ = 	snop  }
0x4: {  	_ = 	snop  }
0x5: {  	_ = 	snop  }
0x6: {  	_ = 	snop  }
0x7: {  	_ = 	snop  }
__scs_overlays_trampoline_lowered:
0x8: {  	[smem:$0x3FAE] =	sst s0  }
0x9: {  	[smem:$0x3FAF] =	sst s1  }
0xa: {  	[smem:$0x3FB0] =	sst s2  }
0xb: {  	[smem:$0x3FB1] =	sst s3  }
0xc: {  	[smem:$0x3FB2] =	sst s4  }
0xd: {  	[smem:$0x3FB3] =	sst s5  }
0xe: {  	[smem:$0x3FB4] =	sst s6  }
0xf: {  	[smem:$0x3FB5] =	sst s7  }
0x10: {  	[smem:$0x3FB6] =	sst s8  }
0x11: {  	[smem:$0x3FB7] =	sst s9;
	s0 =	simm.s32 @!p0 $0x0  }
0x12: {  	s1 =	sld [smem:$0x3F9D];
	s0 =	simm.s32 @p0 $0x1  }
0x13: {  	[smem:$0x3FB8] =	sst s0;
	s0 =	simm.s32 @!p1 $0x0  }
0x14: {  	s2 =	sld [smem:$0x3F9C];
	s0 =	simm.s32 @p1 $0x1  }
0x15: {  	[smem:$0x3FB9] =	sst s0;
	s0 =	simm.s32 @!p2 $0x0  }
0x16: {  	s3 =	sld [smem:$0x3FDB];
	s0 =	simm.s32 @p2 $0x1  }
0x17: {  	s4 =	simm.s32 $0x1BF5;
	[smem:$0x3FBB] =	sst s0  }
0x18: {  	s0 =	sld [smem:$0x3F9E];
	_ =	swait.ge [sflag:s4], $0x0  }
0x19: {  	s7 =	sld [smem:$0x3F9F]  }
0x1a: {  	s8 =	sadd.s32 $0xFFFFE003, lr  }
0x1b: {  	s9 =	sadd.s32 $0xFFFFFEF7, lr;
	s5 =	simm.s32 $0xFFFFFFFF;
	p2 =	slt.u32 s8, $0xFFFFF086  }
0x1c: {  	p1 =	slt.u32 s9, $0xF7A;
	s5 =	simm.s32 @!p2 $0x0  }
0x1d: {  	s5 =	simm.s32 @p1 $0x1;
	p0 =	seq.s32 s7, s2  }
0x1e: {  	s7 =	smul.u32 @!p0 $0xF7A, s2;
	p2 =	seq.s32 @!p0 s5, $0x0  }
0x1f: {  	s9 =	smul.u32 $0xF7A, s1;
	s8 =	simm.s32 @!p0 $0x1BF5;
	p2 =	por !p2, p0  }
0x20: {  	[sflag:s8] =	ssyncset.s32 @!p0 $0xFFFFF086;
	s6 =	sadd.s32 @!p0 s3, s7;
	s7 =	simm.s32 @!p0 $0x108  }
0x21: {  	s3 =	sadd.s32 s3, s9;
	s6 =	sadd.s32 @!p0 $0x88, s6;
	s7 =	simm.s32 @p2 $0x1082  }
0x22: {  	[simem:s7], [sflag:s8] =	dma.local @!p0 [hbm:s6], $0xF7A  }
0x23: {  	s9 =	sor.u32 $0xD0000000, s2;
	s6 =	simm.s32 $0x108;
	_ =	swait.ge @!p0 [sflag:s8], $0x0  }
0x24: {  	s3 =	sadd.s32 $0x88, s3;
	s6 =	simm.s32 @!p1 $0x1082;
	[sflag:s4] =	ssyncset.s32 $0xFFFFF086  }
0x25: {  	[simem:s6], [sflag:s4] =	dma.local [hbm:s3], $0xF7A  }
0x26: {  	[smem:$0x3F9F] =	sst s1;
	(tag) =	ssettag s2;
	_ =	strace s9  }
0x27: {  	s1 =	sld [smem:$0x3FAF]  }
0x28: {  	s2 =	sld [smem:$0x3FB0]  }
0x29: {  	s4 =	sld [smem:$0x3FB2]  }
0x2a: {  	p0 =	seq.s32 s5, $0x0;
	s5 =	sld [smem:$0x3FB3]  }
0x2b: {  	s6 =	sld [smem:$0x3FB4]  }
0x2c: {  	s7 =	sld [smem:$0x3FB5]  }
0x2d: {  	s3 =	simm.s32 $0x108;
	s8 =	sld [smem:$0x3FB6]  }
0x2e: {  	s3 =	simm.s32 @!p0 $0x1082;
	s9 =	sld [smem:$0x3FB7]  }
0x2f: {  	lr =	sadd.s32 s0, s3;
	s0 =	sld [smem:$0x3FAE]  }
0x30: {  	s3 =	sld [smem:$0x3FB1]  }
0x31: {  	[smem:$0x3FBA] =	sst s10  }
0x32: {  	s10 =	sld [smem:$0x3FB8];
	_ =	sdelay $0x3  }
0x33: {  	p0 =	seq.s32 s10, $0x1;
	s10 =	sld [smem:$0x3FBA];
	_ =	sdelay $0x3  }
0x34: {  	[smem:$0x3FBA] =	sst s10  }
0x35: {  	s10 =	sld [smem:$0x3FB9];
	_ =	sdelay $0x3  }
0x36: {  	p1 =	seq.s32 s10, $0x1;
	s10 =	sld [smem:$0x3FBA];
	_ =	sdelay $0x3  }
0x37: {  	[smem:$0x3FBA] =	sst s10  }
0x38: {  	s10 =	sld [smem:$0x3FBB]  }
0x39: {  	_ = 	snop;
	(pc) =	sbr.ind lr, $3  }
0x3a: {  	_ = 	snop  }
0x3b: {  	_ = 	snop  }
0x3c: {  	p2 =	seq.s32 s10, $0x1;
	s10 =	sld [smem:$0x3FBA]  }
0x3d: {  	_ =	shalt  }
0x3e: {  	_ =	shalt  }
0x3f: {  	_ =	shalt  }
0x40: {  	_ =	shalt  }
0x41: {  	_ =	shalt  }
0x42: {  	_ =	shalt  }
0x43: {  	_ =	shalt  }
0x44: {  	_ =	shalt  }
0x45: {  	_ =	shalt  }
0x46: {  	_ =	shalt  }
0x47: {  	_ =	shalt  }
0x48: {  	_ =	shalt  }
0x49: {  	_ =	shalt  }
0x4a: {  	_ =	shalt  }
0x4b: {  	_ =	shalt  }
0x4c: {  	_ =	shalt  }
0x4d: {  	_ =	shalt  }
0x4e: {  	_ =	shalt  }
0x4f: {  	_ =	shalt  }
0x50: {  	_ =	shalt  }
0x51: {  	_ =	shalt  }
0x52: {  	_ =	shalt  }
0x53: {  	_ =	shalt  }
0x54: {  	_ =	shalt  }
0x55: {  	_ =	shalt  }
0x56: {  	_ =	shalt  }
0x57: {  	_ =	shalt  }
0x58: {  	_ =	shalt  }
0x59: {  	_ =	shalt  }
0x5a: {  	_ =	shalt  }
0x5b: {  	_ =	shalt  }
0x5c: {  	_ =	shalt  }
0x5d: {  	_ =	shalt  }
0x5e: {  	_ =	shalt  }
0x5f: {  	_ =	shalt  }
0x60: {  	_ =	shalt  }
0x61: {  	_ =	shalt  }
0x62: {  	_ =	shalt  }
0x63: {  	_ =	shalt  }
0x64: {  	_ =	shalt  }
0x65: {  	_ =	shalt  }
0x66: {  	_ =	shalt  }
0x67: {  	_ =	shalt  }
0x68: {  	_ =	shalt  }
0x69: {  	_ =	shalt  }
0x6a: {  	_ =	shalt  }
0x6b: {  	_ =	shalt  }
0x6c: {  	_ =	shalt  }
0x6d: {  	_ =	shalt  }
0x6e: {  	_ =	shalt  }
0x6f: {  	_ =	shalt  }
0x70: {  	_ =	shalt  }
0x71: {  	_ =	shalt  }
0x72: {  	_ =	shalt  }
0x73: {  	_ =	shalt  }
0x74: {  	_ =	shalt  }
0x75: {  	_ =	shalt  }
0x76: {  	_ =	shalt  }
0x77: {  	_ =	shalt  }
0x78: {  	_ =	shalt  }
0x79: {  	_ =	shalt  }
0x7a: {  	_ =	shalt  }
0x7b: {  	_ =	shalt  }
0x7c: {  	_ =	shalt  }
0x7d: {  	_ =	shalt  }
0x7e: {  	_ =	shalt  }
0x7f: {  	_ =	shalt  }
0x80: {  	_ =	shalt  }
0x81: {  	_ =	shalt  }
0x82: {  	_ =	shalt  }
0x83: {  	_ =	shalt  }
0x84: {  	_ =	shalt  }
0x85: {  	_ =	shalt  }
0x86: {  	_ =	shalt  }
0x87: {  	_ =	shalt  }
.Lfunc_end0:
.L_simem_size_0:
called_computation_lowered:
.L_overlay_start_0:
0x88: {  	s2 =	sld [smem:$0x3FD9]  }
0x89: {  	s3 =	sld [smem:$0x3FFE];
	_ =	sdelay $0x1  }
0x8a: {  	s1 =	srdreg.scid  }
0x8b: {  	s0 =	sand.u32 $0x1, s1  }
0x8c: {  	s14 =	sshll.u32 s0, $0xA;
	s2 =	sadd.s32 s3, s2  }
0x8d: {  	s2 =	sadd.s32 s2, s14  }
0x8e: {  	[smem:$0x3FC6] =	sst s2  }
0x8f: {  	_ = 	snop  }
0x90: {  	s2 =	sld [smem:$0x3FD0];
	_ =	sdelay $0x2  }
0x91: {  	s15 =	simm.s32 $0xA;
	s4 =	simm.s32 $0x10  }
0x92: {  	[smem:s4], [sflag:s15] =	dma.local [hbm:s2], $0x1  }
0x93: {  	_ =	swait.eq [sflag:s15], $0x1  }
0x94: {  	[sflag:s15] =	ssyncset.done $0x0  }
0x95: {  	s16 =	sld [smem:$0x10];
	[sflag:s15] =	ssyncadd.s32 $0xFFFFFFFF  }
0x96: {  	s17 =	sld [smem:$0x11];
	(tm) =	ssettm $0x1  }
0x97: {  	s18 =	sld [smem:$0x3FFB];
	_ =	sdelay $0x3  }
0x98: {  	_ =	strace s18  }
0x99: {  	s4 =	sld [smem:$0x3FFC];
	_ =	sdelay $0x3  }
0x9a: {  	_ =	strace s4  }
0x9b: {  	s4 =	sld [smem:$0x3FFD];
	_ =	sdelay $0x3  }
0x9c: {  	_ =	strace s4  }
0x9d: {  	_ =	strace $0x8FFFFFFF  }
0x9e: {  	s19 =	sld [smem:$0x3FDB];
	_ =	sdelay $0x1  }
0x9f: {  	s5 =	simm.s32 $_scs_section_size  }
0xa0: {  	s6 =	simm.s32 $_size__tile_overlayer_lowered;
	s7 =	simm.s32 $_tile_overlayer_lowered  }
0xa1: {  	s22 =	simm.s32 $0x1BFF;
	s21 =	sshll.u32 s7, $0x1;
	s4 =	sadd.s32 s5, s19  }
0xa2: {  	s8 =	simm.s32 $0x0;
	s20 =	sshll.u32 s6, $0x1;
	s6 =	sadd.s32 s21, s4  }
0xa3: {  	[timem:s8], [sflag:s22] =	dma.local [hbm:s6], s20  }
0xa4: {  	_ =	swait.ge [sflag:s22], s20  }
0xa5: {  	s5 =	ssub.s32 $0x0, s20;
	[sflag:s22] =	ssyncset.done $0x0  }
0xa6: {  	[sflag:s22] =	ssyncadd.s32 s5;
	_ =	sdelay $0x1  }
0xa7: {  	s23 =	simm.s32 $0x1B8B  }
0xa8: {  	_ =	swait.ge [sflag:s23], $0x1  }
0xa9: {  	[sflag:s23] =	ssyncset.done $0x0  }
0xaa: {  	s25 =	simm.s32 $0x1B8E;
	s24 =	sld [smem:$0x3FFE];
	[sflag:s23] =	ssyncadd.s32 $0xFFFFFFFF  }
0xab: {  	s26 =	simm.s32 $execute0_lowered;
	[smem:$0x3FD2] =	sst s25  }
0xac: {  	s6 =	sshll.u32 s26, $0x1;
	_ =	strace $0x80000046;
	[dreg:$0x1] =	wrdreg $0xFFFFFFFF  }
0xad: {  	s28 =	simm.s32 $_size_execute0_lowered;
	s4 =	sadd.s32 s4, s6;
	[dreg:$0x0] =	wrdreg $0x0  }
0xae: {  	s6 =	sshll.u32 s28, $0x1;
	[dreg:$0x2] =	wrdreg s4  }
0xaf: {  	[dreg:$0x3] =	wrdreg s6  }
0xb0: {  	[dreg:$0x4] =	wrdreg $0xC0  }
0xb1: {  	_ =	task [dreg:s8], $0x5FFFF  }
0xb2: {  	[dreg:$0x1] =	wrdreg $0xFFFFFFFF  }
0xb3: {  	[dreg:$0x0] =	wrdreg $0x60  }
0xb4: {  	[dreg:$0x2] =	wrdreg s24  }
0xb5: {  	[dreg:$0x3] =	wrdreg s17  }
0xb6: {  	[dreg:$0x4] =	wrdreg s16  }
0xb7: {  	[dreg:$0x5] =	wrdreg $0x9  }
0xb8: {  	_ =	task.clear_ibuf [dreg:s8], $0x6FFFF;
	_ =	strace $0x90000046  }
0xb9: {  	s29 =	simm.s32 $0x9;
	_ =	strace $0x80000048  }
0xba: {  	_ =	swait.ge [sflag:s29], $0x1  }
0xbb: {  	[sflag:s29] =	ssyncadd.s32 $0xFFFFFFFF  }
0xbc: {  	_ =	strace $0x90000048  }
0xbd: {  	_ =	sfence  }
0xbe: {  	s30 =	sld [smem:$0x0];
	_ =	sdelay $0x2  }
0xbf: {  	s31 =	sshll.u32 s1, $0xD;
	s1 =	sshrl.u32 s1, $0x2  }
0xc0: {  	s3 =	sand.u32 $0x4000, s31;
	s1 =	sadd.s32 s1, s30  }
0xc1: {  	s0 =	sor.u32 s3, s0;
	s1 =	sshll.u32 s1, $0x11  }
0xc2: {  	s0 =	sor.u32 s1, s0  }
0xc3: {  	s0 =	sadd.s32 $0x8F2B, s0  }
0xc4: {  	[sflag:s0] =	ssyncadd.remote.s32 $0x1  }
0xc5: {  	_ =	sfence.sel $0xFFFF  }
0xc6: {  	[dreg:$0x0] =	wrdreg $0xFFFFFFFF;
	(pc) =	sbr.abs _section_cstart, $3  }
0xc7: {  	[dreg:$0x1] =	wrdreg $0xFFFFFFFF  }
0xc8: {  	_ =	task.clear_ibuf [dreg:s8], $0x2FFFF;
	_ =	strace $0x9FFFFFFF  }
0xc9: {  	(tm) =	ssettm $0x7FFFFFFF  }
tec
execute0_lowered:
.L_overlay_start_1:
0x0: {  	(tag) =	ssettag $0x1  }
0x1: {  	s1 =	rddreg [dreg:$0x0]  }
0x2: {  	s4 =	rddreg [dreg:$0x1]  }
0x3: {  	s5 =	rddreg [dreg:$0x2]  }
0x4: {  	s0 =	rddreg [dreg:$0x3];
	s3 =	simm.s32 $0x0;
	s6 =	srdreg.scid  }
0x5: {  	s2 =	stileid.u32;
	s10 =	simm.s32 $0x1080;
	s11 =	simm.s32 $0x1880  }
0x6: {  	s12 =	simm.s32 $0x2080;
	s13 =	simm.s32 $0x2880;
	s14 =	simm.s32 $0x3080  }
0x7: {  	s15 =	simm.s32 $0x3880;
	s16 =	simm.s32 $0x4080;
	s17 =	simm.s32 $0x4880  }
0x8: {  	s18 =	simm.s32 $0x5080;
	s19 =	simm.s32 $0x5880;
	s20 =	simm.s32 $0x6080  }
0x9: {  	s21 =	simm.s32 $0x6880;
	s22 =	simm.s32 $0x7080;
	s23 =	simm.s32 $0x7880  }
0xa: {  	s24 =	simm.s32 $0x1;
	[smem:$0x7FF] =	sst s3;
	s6 =	sand.u32 $0x1, s6  }
0xb: {  	s8 =	sshll.u32 s2, $0x8;
	s7 =	ssub.s32 $0x2, s6;
	s6 =	sshll.u32 s6, $0x7  }
0xc: {  	_ =	strace $0x80000047;
	s9 =	sshrl.u32 s7, $0x1;
	s6 =	sor.u32 s6, s8  }
0xd: {  	v2 =	vlaneseq.u32;
	s7 =	ssub.s32 s7, s9;
	s8 =	sshrl.u32 s6, $0x3;
	s6 =	sshll.u32 s6, $0x5  }
0xe: {  	vm0 =	vmmov $0xffff;
	v1 =	vshrl.u32 v2, $0x3;
	s9 =	simm.s32 $0x880;
	s4 =	sadd.s32 s4, s8;
	s5 =	sadd.s32 s5, s6  }
0xf: {  	v0 =	vand.u32 $0x7, v2;
	v2 =	vor.u32 $0x8, v2;
	v1 =	vmul.u32 $0x8, v1;
	s6 =	smax.u32 s7, $0x1;
	s7 =	simm.s32 $0x2;
	s8 =	simm.s32 $0x80  }
.LBB2_1:
0x10: {  	[tilespmem:s3], [sflag:$0x2] =	stream.linear.gather [hbm4b:s4+s3], $0x80, $0x38;
	[tilespmem:$0x8080] =	vst v63  }
0x11: {  	_ =	swait.ge [sflag:s7], $0x80  }
0x12: {  	[sflag:s7] =	ssyncset.done $0x0  }
0x13: {  	[sflag:s7] =	ssyncadd.s32 $0xFFFFFF80  }
0x14: {  	v3 =	vld [tilespmem:$0x0];
	_ =	sdelay $0x4  }
0x15: {  	v4 =	vshll.u32 v3, $0x1  }
0x16: {  	v3 =	vand.u32 $0x7, v3;
	v4 =	vand.u32 $0xFFFFFFF0, v4  }
0x17: {  	v3 =	vor.u32 v3, v4  }
0x18: {  	v4 =	vperm.xlane v3, v0;
	_ =	sdelay $0x1  }
0x19: {  	v3 =	vperm.xlane v3, v2;
	v4 =	vadd.s32 v1, v4;
	_ =	sdelay $0x1  }
0x1a: {  	v3 =	vadd.s32 v1, v3;
	_ =	sdelay $0x2  }
0x1b: {  	[tilespmem:s8], [sflag:$0x1] =	stream.indirect_vreg.gather [hbm4b:s1+s3], $0x80, v4, vm0, $0xb8;
	[tilespmem:$0x8080] =	vst v63  }
0x1c: {  	_ = 	snop  }
0x1d: {  	[tilespmem:s9], [sflag:$0x1] =	stream.indirect_vreg.gather [hbm4b:s1+s3], $0x80, v3, vm0, $0xb8;
	[tilespmem:$0x8080] =	vst v63  }
0x1e: {  	v3 =	vld [tilespmem:$0x10];
	_ =	sdelay $0x4  }
0x1f: {  	v57 =	vshll.u32 v3, $0x1  }
0x20: {  	v3 =	vand.u32 $0x7, v3;
	v4 =	vand.u32 $0xFFFFFFF0, v57  }
0x21: {  	v3 =	vor.u32 v3, v4  }
0x22: {  	v4 =	vperm.xlane v3, v0;
	_ =	sdelay $0x1  }
0x23: {  	v3 =	vperm.xlane v3, v2;
	v4 =	vadd.s32 v1, v4;
	_ =	sdelay $0x1  }
0x24: {  	v3 =	vadd.s32 v1, v3;
	_ =	sdelay $0x2  }
0x25: {  	[tilespmem:s10], [sflag:$0x1] =	stream.indirect_vreg.gather [hbm4b:s1+s3], $0x80, v4, vm0, $0xb8;
	[tilespmem:$0x8080] =	vst v63  }
0x26: {  	_ = 	snop  }
0x27: {  	[tilespmem:s11], [sflag:$0x1] =	stream.indirect_vreg.gather [hbm4b:s1+s3], $0x80, v3, vm0, $0xb8;
	[tilespmem:$0x8080] =	vst v63  }
0x28: {  	v3 =	vld [tilespmem:$0x20];
	_ =	sdelay $0x4  }
0x29: {  	v58 =	vshll.u32 v3, $0x1  }
0x2a: {  	v3 =	vand.u32 $0x7, v3;
	v4 =	vand.u32 $0xFFFFFFF0, v58  }
0x2b: {  	v3 =	vor.u32 v3, v4  }
0x2c: {  	v4 =	vperm.xlane v3, v0;
	_ =	sdelay $0x1  }
0x2d: {  	v3 =	vperm.xlane v3, v2;
	v4 =	vadd.s32 v1, v4;
	_ =	sdelay $0x1  }
0x2e: {  	v3 =	vadd.s32 v1, v3;
	_ =	sdelay $0x2  }
0x2f: {  	[tilespmem:s12], [sflag:$0x1] =	stream.indirect_vreg.gather [hbm4b:s1+s3], $0x80, v4, vm0, $0xb8;
	[tilespmem:$0x8080] =	vst v63  }
0x30: {  	_ = 	snop  }
0x31: {  	[tilespmem:s13], [sflag:$0x1] =	stream.indirect_vreg.gather [hbm4b:s1+s3], $0x80, v3, vm0, $0xb8;
	[tilespmem:$0x8080] =	vst v63  }
0x32: {  	v3 =	vld [tilespmem:$0x30];
	_ =	sdelay $0x4  }
0x33: {  	v59 =	vshll.u32 v3, $0x1  }
0x34: {  	v3 =	vand.u32 $0x7, v3;
	v4 =	vand.u32 $0xFFFFFFF0, v59  }
0x35: {  	v3 =	vor.u32 v3, v4  }
0x36: {  	v4 =	vperm.xlane v3, v0;
	_ =	sdelay $0x1  }
0x37: {  	v3 =	vperm.xlane v3, v2;
	v4 =	vadd.s32 v1, v4;
	_ =	sdelay $0x1  }
0x38: {  	v3 =	vadd.s32 v1, v3;
	_ =	sdelay $0x2  }
0x39: {  	[tilespmem:s14], [sflag:$0x1] =	stream.indirect_vreg.gather [hbm4b:s1+s3], $0x80, v4, vm0, $0xb8;
	[tilespmem:$0x8080] =	vst v63  }
0x3a: {  	_ = 	snop  }
0x3b: {  	[tilespmem:s15], [sflag:$0x1] =	stream.indirect_vreg.gather [hbm4b:s1+s3], $0x80, v3, vm0, $0xb8;
	[tilespmem:$0x8080] =	vst v63  }
0x3c: {  	v3 =	vld [tilespmem:$0x40];
	_ =	sdelay $0x4  }
0x3d: {  	v60 =	vshll.u32 v3, $0x1  }
0x3e: {  	v3 =	vand.u32 $0x7, v3;
	v4 =	vand.u32 $0xFFFFFFF0, v60  }
0x3f: {  	v3 =	vor.u32 v3, v4  }
0x40: {  	v4 =	vperm.xlane v3, v0;
	_ =	sdelay $0x1  }
0x41: {  	v3 =	vperm.xlane v3, v2;
	v4 =	vadd.s32 v1, v4;
	_ =	sdelay $0x1  }
0x42: {  	v3 =	vadd.s32 v1, v3;
	_ =	sdelay $0x2  }
0x43: {  	[tilespmem:s16], [sflag:$0x1] =	stream.indirect_vreg.gather [hbm4b:s1+s3], $0x80, v4, vm0, $0xb8;
	[tilespmem:$0x8080] =	vst v63  }
0x44: {  	_ = 	snop  }
0x45: {  	[tilespmem:s17], [sflag:$0x1] =	stream.indirect_vreg.gather [hbm4b:s1+s3], $0x80, v3, vm0, $0xb8;
	[tilespmem:$0x8080] =	vst v63  }
0x46: {  	v3 =	vld [tilespmem:$0x50];
	_ =	sdelay $0x4  }
0x47: {  	v61 =	vshll.u32 v3, $0x1  }
0x48: {  	v3 =	vand.u32 $0x7, v3;
	v4 =	vand.u32 $0xFFFFFFF0, v61  }
0x49: {  	v3 =	vor.u32 v3, v4  }
0x4a: {  	v4 =	vperm.xlane v3, v0;
	_ =	sdelay $0x1  }
0x4b: {  	v3 =	vperm.xlane v3, v2;
	v4 =	vadd.s32 v1, v4;
	_ =	sdelay $0x1  }
0x4c: {  	v3 =	vadd.s32 v1, v3;
	_ =	sdelay $0x2  }
0x4d: {  	[tilespmem:s18], [sflag:$0x1] =	stream.indirect_vreg.gather [hbm4b:s1+s3], $0x80, v4, vm0, $0xb8;
	[tilespmem:$0x8080] =	vst v63  }
0x4e: {  	_ = 	snop  }
0x4f: {  	[tilespmem:s19], [sflag:$0x1] =	stream.indirect_vreg.gather [hbm4b:s1+s3], $0x80, v3, vm0, $0xb8;
	[tilespmem:$0x8080] =	vst v63  }
0x50: {  	v3 =	vld [tilespmem:$0x60];
	_ =	sdelay $0x4  }
0x51: {  	v62 =	vshll.u32 v3, $0x1  }
0x52: {  	v3 =	vand.u32 $0x7, v3;
	v4 =	vand.u32 $0xFFFFFFF0, v62  }
0x53: {  	v3 =	vor.u32 v3, v4  }
0x54: {  	v4 =	vperm.xlane v3, v0;
	_ =	sdelay $0x1  }
0x55: {  	v3 =	vperm.xlane v3, v2;
	v4 =	vadd.s32 v1, v4;
	_ =	sdelay $0x1  }
0x56: {  	v3 =	vadd.s32 v1, v3;
	_ =	sdelay $0x2  }
0x57: {  	[tilespmem:s20], [sflag:$0x1] =	stream.indirect_vreg.gather [hbm4b:s1+s3], $0x80, v4, vm0, $0xb8;
	[tilespmem:$0x8080] =	vst v63  }
0x58: {  	_ = 	snop  }
0x59: {  	[tilespmem:s21], [sflag:$0x1] =	stream.indirect_vreg.gather [hbm4b:s1+s3], $0x80, v3, vm0, $0xb8;
	[tilespmem:$0x8080] =	vst v63  }
0x5a: {  	v3 =	vld [tilespmem:$0x70];
	_ =	sdelay $0x4  }
0x5b: {  	v63 =	vshll.u32 v3, $0x1  }
0x5c: {  	v3 =	vand.u32 $0x7, v3;
	v4 =	vand.u32 $0xFFFFFFF0, v63  }
0x5d: {  	v3 =	vor.u32 v3, v4  }
0x5e: {  	v4 =	vperm.xlane v3, v0;
	_ =	sdelay $0x1  }
0x5f: {  	v3 =	vperm.xlane v3, v2;
	v4 =	vadd.s32 v1, v4;
	_ =	sdelay $0x1  }
0x60: {  	v3 =	vadd.s32 v1, v3;
	_ =	sdelay $0x2  }
0x61: {  	[tilespmem:s22], [sflag:$0x1] =	stream.indirect_vreg.gather [hbm4b:s1+s3], $0x80, v4, vm0, $0xb8;
	[tilespmem:$0x8080] =	vst v63  }
0x62: {  	_ = 	snop  }
0x63: {  	[tilespmem:s23], [sflag:$0x1] =	stream.indirect_vreg.gather [hbm4b:s1+s3], $0x80, v3, vm0, $0xb8;
	[tilespmem:$0x8080] =	vst v63  }
0x64: {  	_ =	swait.ge [sflag:s24], $0x8000  }
0x65: {  	p0 =	sne.s32 s6, $0x1;
	[sflag:s24] =	ssyncset.done $0x0  }
.Ltmp0:
0x66: {  	[sflag:s24] =	ssyncadd.s32 $0xFFFF8000;
	(pc) =	sbr.rel @p0 .LBB2_1-.Ltmp0, $4  }
0x67: {  	[hbm4b:s5+s3] =	stream.linear.scatter [tilespmem:s8], [sflag:$0x2], $0x8000, $0x38;
	[tilespmem:$0x8080] =	vst v63  }
0x68: {  	_ =	swait.ge [sflag:s7], $0x8000  }
0x69: {  	[sflag:s7] =	ssyncset.done $0x0  }
0x6a: {  	s6 =	sadd.s32 $0xFFFFFFFF, s6;
	[sflag:s7] =	ssyncadd.s32 $0xFFFF8000  }
0x6b: {  	_ =	sfence.sel $0x180000  }
0x6c: {  	[bflag:$0x0] =	sbarrier.arrive $0xFFFF  }
0x6d: {  	p0 =	sne.s32 s2, $0x0;
	_ =	strace $0x90000047  }
0x6e: {  	s0 =	sadd.s32 @!p0 $0x100000, s0;
	[bflag:$0x2] =	sbarrier.arrive $0xFFFF  }
0x6f: {  	[sflag:s0] =	ssyncadd.tile.s32 @!p0 $0x1;
	_ =	shalt  }
.Lfunc_end2:
_tile_overlayer_lowered:
.L_overlay_start_2:
0x70: {  	(tag) =	ssettag $0x2  }
0x71: {  	s0 =	rddreg [dreg:$0x0];
	s2 =	stileid.u32  }
0x72: {  	s1 =	rddreg [dreg:$0x1];
	p0 =	sne.s32 s2, $0x0  }
0x73: {  	s3 =	rddreg [dreg:$0x2];
	[bflag:$0x3] =	sbarrier.arrive $0xFFFF;
	s2 =	simm.s32 @!p0 $0x1C02  }
0x74: {  	[timem:s3], [sflag:s2] =	dma.local @!p0 [hbm:s0], s1  }
0x75: {  	s0 =	simm.s32 @!p0 $0x2  }
0x76: {  	_ =	swait.ge @!p0 [sflag:s0], s1  }
0x77: {  	s1 =	ssub.s32 @!p0 $0x0, s1;
	[sflag:s0] =	ssyncset.done @!p0 $0x0  }
0x78: {  	[sflag:s0] =	ssyncadd.s32 @!p0 s1  }
0x79: {  	[bflag:$0x3] =	sbarrier.arrive $0xFFFF  }
0x7a: {  	_ =	shalt  }

</sc_bundles>
